<compile_context>
chip_gen: v7x
topology: tpu7x:2x2x1
jax: 0.10.2.dev20260603
libtpu: 0.0.44.dev20260713+nightly
codegen_flags: <defaults>
</compile_context>

<pallas_src>
import functools

import jax
import jax.numpy as jnp
import numpy as np
from jax import lax
from jax.experimental import pallas as pl
from jax.experimental.pallas import tpu as pltpu
from jax.experimental.pallas import tpu_sc as plsc

E = 320000
N = 10000
D = 128
H = 4
DK = 32

E_PAD = 327680
NPAD = 10112
CHUNK = 128
NROWS = E_PAD // CHUNK
NTILES = 32
RPT = NROWS // NTILES
RPT_B = NROWS // 16
EPT = E_PAD // NTILES
NPT = NPAD // 16

BE = 2560
NBLK = E // BE
NBLK_D = E_PAD // BE

_INV_SQRT_DK = 1.0 / np.sqrt(DK)
_CLAMP = 60.0

_mesh = plsc.VectorSubcoreMesh(core_axis_name="c", subcore_axis_name="s")


def _edge_proj_body(h_ref, q_ref, wk_ref, wv_ref, w1h_ref, w1q_ref, w2_ref,
                    b1_ref, b2_ref, rep_ref, o8_ref, out_ref):
    h = h_ref[...]
    q = q_ref[...]
    k = lax.dot_general(h, wk_ref[...], (((1,), (1,)), ((), ())),
                        preferred_element_type=jnp.float32)
    prod = q * k
    s_t = lax.dot_general(rep_ref[...], prod, (((1,), (1,)), ((), ())),
                          preferred_element_type=jnp.float32) * _INV_SQRT_DK
    ex_t = jnp.exp(jnp.minimum(s_t, _CLAMP))
    o8_ref[pl.ds(0, H), :] = ex_t
    o8_ref[pl.ds(H, 1), :] = jnp.sum(ex_t, axis=0, keepdims=True)
    hid = lax.dot_general(h, w1h_ref[...], (((1,), (1,)), ((), ())),
                          preferred_element_type=jnp.float32)
    hid = hid + lax.dot_general(q, w1q_ref[...], (((1,), (1,)), ((), ())),
                                preferred_element_type=jnp.float32)
    hid = jnp.maximum(hid + b1_ref[...], 0.0)
    wp_t = lax.dot_general(w2_ref[...], hid, (((1,), (1,)), ((), ())),
                           preferred_element_type=jnp.float32)
    o8_ref[pl.ds(H + 1, 1), :] = wp_t + b2_ref[0, 0]
    v = lax.dot_general(h, wv_ref[...], (((1,), (1,)), ((), ())),
                        preferred_element_type=jnp.float32)
    scale = lax.dot_general(ex_t, rep_ref[...], (((0,), (0,)), ((), ())),
                            preferred_element_type=jnp.float32)
    out_ref[...] = v * scale


def _edge_proj(h, q, wk, wv, w1h, w1q, w2, b1, b2, rep):
    full = lambda shp: pl.BlockSpec(shp, lambda i: (0, 0))
    clamped = lambda i: (jnp.minimum(i, NBLK - 1), 0)
    return pl.pallas_call(
        _edge_proj_body,
        grid=(NBLK_D,),
        in_specs=[
            pl.BlockSpec((BE, D), clamped),
            pl.BlockSpec((BE, D), clamped),
            full((D, D)), full((D, D)), full((D, D)), full((D, D)),
            full((1, D)), full((1, D)), full((1, 1)),
            full((H, D)),
        ],
        out_specs=[
            pl.BlockSpec((8, BE), lambda i: (0, i)),
            pl.BlockSpec((BE, D), lambda i: (i, 0)),
        ],
        out_shape=[
            jax.ShapeDtypeStruct((8, E_PAD), jnp.float32),
            jax.ShapeDtypeStruct((E_PAD, D), jnp.float32),
        ],
    )(h, q, wk, wv, w1h, w1q, w2, b1, b2, rep)


@functools.partial(
    pl.kernel,
    out_type=jax.ShapeDtypeStruct((NPAD,), jnp.float32),
    mesh=_mesh,
    scratch_types=[
        pltpu.VMEM_SHARED((NPAD,), jnp.float32),
        pltpu.VMEM((RPT_B, CHUNK), jnp.int32),
        pltpu.VMEM((RPT_B, CHUNK), jnp.float32),
    ],
)
def _seg_sum(sexp_hbm, idx_hbm, zeros_hbm, p_hbm, acc, idxbuf, updbuf):
    c = lax.axis_index("c")
    s = lax.axis_index("s")

    @pl.when(c == 0)
    def _():
        base = s * RPT_B

        @pl.when(s == 0)
        def _():
            pltpu.sync_copy(zeros_hbm, acc)

        pltpu.sync_copy(idx_hbm.at[pl.ds(base, RPT_B)], idxbuf)
        pltpu.sync_copy(sexp_hbm.at[pl.ds(base, RPT_B)], updbuf)
        plsc.subcore_barrier()

        def body(j, carry):
            pltpu.sync_copy(updbuf.at[j], acc.at[idxbuf.at[j]], add=True)
            return carry

        lax.fori_loop(0, RPT_B, body, 0)
        plsc.subcore_barrier()

        @pl.when(s == 0)
        def _():
            pltpu.sync_copy(acc, p_hbm)


@functools.partial(
    pl.kernel,
    out_type=jax.ShapeDtypeStruct((NROWS, CHUNK), jnp.float32),
    mesh=_mesh,
    scratch_types=[
        pltpu.VMEM_SHARED((NPAD,), jnp.float32),
        pltpu.VMEM((RPT, CHUNK), jnp.int32),
        pltpu.VMEM((RPT, CHUNK), jnp.float32),
        pltpu.SemaphoreType.DMA,
    ],
)
def _seg_gather(idx_hbm, p_hbm, d_hbm, ptab, idxbuf, g0, sem0):
    c = lax.axis_index("c")
    s = lax.axis_index("s")
    base = (c * 16 + s) * RPT
    @pl.when(s == 0)
    def _():
        pltpu.sync_copy(p_hbm, ptab)

    pltpu.sync_copy(idx_hbm.at[pl.ds(base, RPT)], idxbuf)
    plsc.subcore_barrier()

    def body(jo, carry):
        cps = []
        for u in range(5):
            j = jo * 5 + u
            cps.append(pltpu.async_copy(ptab.at[idxbuf.at[j]], g0.at[j],
                                        sem0))
        for cp in cps:
            cp.wait()
        return carry

    lax.fori_loop(0, RPT // 5, body, 0)
    pltpu.sync_copy(g0, d_hbm.at[pl.ds(base, RPT)])


@functools.partial(
    pl.kernel,
    out_type=(
        jax.ShapeDtypeStruct((NPAD, D), jnp.float32),
        jax.ShapeDtypeStruct((NPAD, D), jnp.float32),
    ),
    mesh=_mesh,
    scratch_types=[
        pltpu.VMEM_SHARED((NPAD, D), jnp.float32),
        pltpu.VMEM((RPT, CHUNK), jnp.int32),
        pltpu.VMEM((CHUNK, D), jnp.float32),
        pltpu.VMEM((CHUNK, D), jnp.float32),
        pltpu.SemaphoreType.DMA,
        pltpu.SemaphoreType.DMA,
        pltpu.SemaphoreType.DMA,
        pltpu.SemaphoreType.DMA,
    ],
)
def _seg_agg(wv_hbm, idx_hbm, zeros_hbm, pa0_hbm, pa1_hbm, acc, idxbuf,
             buf0, buf1, sem0, sem1, ssem0, ssem1):
    c = lax.axis_index("c")
    s = lax.axis_index("s")
    tile = c * 16 + s
    ebase = tile * EPT

    pltpu.sync_copy(idx_hbm.at[pl.ds(tile * RPT, RPT)], idxbuf)
    pltpu.sync_copy(zeros_hbm.at[pl.ds(s * NPT, NPT)],
                    acc.at[pl.ds(s * NPT, NPT)])
    plsc.subcore_barrier()

    def src(j):
        return wv_hbm.at[pl.ds(ebase + j * CHUNK, CHUNK)]

    pltpu.async_copy(src(0), buf0, sem0)
    pltpu.async_copy(src(1), buf1, sem1)

    def body(i2, carry):
        j0 = i2 * 2
        j1 = j0 + 1
        pltpu.make_async_copy(src(j0), buf0, sem0).wait()
        cp0 = pltpu.async_copy(buf0, acc.at[idxbuf.at[j0]], ssem0, add=True)
        pltpu.make_async_copy(src(j1), buf1, sem1).wait()
        cp1 = pltpu.async_copy(buf1, acc.at[idxbuf.at[j1]], ssem1, add=True)
        cp0.wait()

        @pl.when(j0 + 2 < RPT)
        def _():
            pltpu.async_copy(src(j0 + 2), buf0, sem0)

        cp1.wait()

        @pl.when(j1 + 2 < RPT)
        def _():
            pltpu.async_copy(src(j1 + 2), buf1, sem1)

        return carry

    lax.fori_loop(0, RPT // 2, body, 0)
    plsc.subcore_barrier()

    @pl.when(c == 0)
    def _():
        pltpu.sync_copy(acc.at[pl.ds(s * NPT, NPT)],
                        pa0_hbm.at[pl.ds(s * NPT, NPT)])

    @pl.when(c == 1)
    def _():
        pltpu.sync_copy(acc.at[pl.ds(s * NPT, NPT)],
                        pa1_hbm.at[pl.ds(s * NPT, NPT)])


def _attn_body(o8_ref, d_ref, attn_ref):
    ex_t = o8_ref[pl.ds(0, H), :]
    attn_ref[...] = ex_t / d_ref[...]


def _attn_norm(o8, d_row):
    beg = 12800
    return pl.pallas_call(
        _attn_body,
        grid=(E // beg,),
        in_specs=[
            pl.BlockSpec((8, beg), lambda i: (0, i)),
            pl.BlockSpec((1, beg), lambda i: (0, i)),
        ],
        out_specs=pl.BlockSpec((H, beg), lambda i: (0, i)),
        out_shape=jax.ShapeDtypeStruct((H, E), jnp.float32),
    )(o8, d_row)


def _combine_body(p0_ref, p1_ref, den_ref, out_ref):
    den = den_ref[...]
    inv = jnp.where(den > 0.0, 1.0 / den, 0.0)
    out_ref[...] = (p0_ref[...] + p1_ref[...]) * inv


def _combine(p0_pad, p1_pad, den_pad):
    bn = 10000
    return pl.pallas_call(
        _combine_body,
        grid=(N // bn,),
        in_specs=[
            pl.BlockSpec((bn, D), lambda i: (i, 0)),
            pl.BlockSpec((bn, D), lambda i: (i, 0)),
            pl.BlockSpec((bn, 1), lambda i: (i, 0)),
        ],
        out_specs=pl.BlockSpec((bn, D), lambda i: (i, 0)),
        out_shape=jax.ShapeDtypeStruct((N, D), jnp.float32),
    )(p0_pad, p1_pad, den_pad)


def kernel(h_src, Q_dst, Wk, Wv, W1, b1, W2, b2, src_idx, dst_idx,
           num_dst_nodes):
    del src_idx, num_dst_nodes
    q = Q_dst.reshape(E, D)
    w1h = W1[:, :D]
    w1q = W1[:, D:]
    rep = jnp.asarray(np.repeat(np.eye(H, dtype=np.float32), DK, axis=1))
    b1r = b1.reshape(1, D)
    b2r = b2.reshape(1, 1)

    o8, wv_rows = _edge_proj(h_src, q, Wk, Wv, w1h, w1q, W2, b1r, b2r, rep)

    pad_idx = N + (jnp.arange(E_PAD - E, dtype=jnp.int32) % (NPAD - N))
    idx_flat = jnp.concatenate([dst_idx.astype(jnp.int32), pad_idx])
    idx2d = idx_flat.reshape(NROWS, CHUNK)

    zeros_n = jnp.zeros((NPAD,), jnp.float32)
    p = _seg_sum(o8[H].reshape(NROWS, CHUNK), idx2d, zeros_n)

    d = _seg_gather(idx2d, p)
    attn_t = _attn_norm(o8, d.reshape(1, E_PAD))
    attn_norm = attn_t.T

    zeros_nd = jnp.zeros((NPAD, D), jnp.float32)
    pa0, pa1 = _seg_agg(wv_rows, idx2d, zeros_nd)

    aggregated = _combine(pa0, pa1, p.reshape(NPAD, 1))
    return (aggregated, attn_norm, o8[H + 1, :E])

# --- scband reference (transcript-rebuilt; emitter-appended) ---
"""Pipeline reference for scband-relation-attention-68204080660552 (READ-ONLY COPY).

The authoritative reference and input builder live on the scoring server;
editing this copy changes nothing except your own understanding.
"""

import jax, jax.numpy as jnp
import numpy as np

E = 320000
N = 10000
D = 128
H = 4
DK = 32


def setup_inputs(seed: int = 0) -> dict:
    key = jax.random.key(seed)
    ks = jax.random.split(key, 10)
    h_src = jax.random.normal(ks[0], (E, D), dtype=jnp.float32)
    Q_dst = jax.random.normal(ks[1], (E, H, DK), dtype=jnp.float32)
    src_idx = jax.random.randint(ks[2], (E,), 0, N)
    dst_idx = jax.random.randint(ks[3], (E,), 0, N)
    Wk = jax.random.normal(ks[4], (D, D), dtype=jnp.float32) * (1.0 / np.sqrt(D))
    Wv = jax.random.normal(ks[5], (D, D), dtype=jnp.float32) * (1.0 / np.sqrt(D))
    W1 = jax.random.normal(ks[6], (D, 2 * D), dtype=jnp.float32) * (1.0 / np.sqrt(2 * D))
    b1 = jnp.zeros((D,), dtype=jnp.float32)
    W2 = jax.random.normal(ks[7], (1, D), dtype=jnp.float32) * (1.0 / np.sqrt(D))
    b2 = jnp.zeros((1,), dtype=jnp.float32)
    return {
        "h_src": h_src,
        "Q_dst": Q_dst,
        "Wk": Wk,
        "Wv": Wv,
        "W1": W1,
        "b1": b1,
        "W2": W2,
        "b2": b2,
        "src_idx": src_idx,
        "dst_idx": dst_idx,
        "num_dst_nodes": N,
    }


def reference(h_src, Q_dst, Wk, Wv, W1, b1, W2, b2, src_idx, dst_idx, num_dst_nodes):
    # Relation-specific projection
    K = (h_src @ Wk.T).reshape(E, H, DK)
    V = (h_src @ Wv.T).reshape(E, H, DK)
    # Relation-specific Attention
    attn_scores = (Q_dst * K).sum(axis=-1) / np.sqrt(DK)  # [E, H]
    # Normalized Relation-specific Attention (scatter_softmax over dst groups)
    zero_seg = jnp.asarray(num_dst_nodes, dtype=dst_idx.dtype) * 0
    dst_idx = dst_idx + zero_seg
    seg = jnp.repeat(dst_idx[:, None], H, axis=1).reshape(-1)
    attn_flat = attn_scores.reshape(-1)
    seg_max = jax.ops.segment_max(attn_flat, seg, num_segments=N)
    ex = jnp.exp(attn_flat - seg_max[seg])
    seg_sum = jax.ops.segment_sum(ex, seg, num_segments=N)
    attn_norm_flat = ex / seg_sum[seg]
    attn_norm = attn_norm_flat.reshape(E, H)
    # Intra-Type Aggregation
    weighted_V = (V * attn_norm[..., None]).reshape(E, D)
    aggregated = jax.ops.segment_sum(weighted_V, dst_idx, num_segments=N)
    # weight predictor MLP on [h_src || detached Q_dst]
    dst_rep = jax.lax.stop_gradient(Q_dst.reshape(E, D))
    cat = jnp.concatenate([h_src, dst_rep], axis=1)
    hid = jax.nn.relu(cat @ W1.T + b1)
    weight_preds = (hid @ W2.T + b2).squeeze(-1)
    return (aggregated, attn_norm, weight_preds)

if __name__ == "__main__":
    import jax
    _d = setup_inputs()
    print(jax.jit(kernel)(*tuple(_d.values())))

</pallas_src>

<mosaic_0001>
#map = affine_map<(d0, d1) -> (0, 0)>
#map1 = affine_map<(d0, d1) -> (0)>
module attributes {stable_mosaic.version = 14 : i64} {
  func.func @_seg_gather(%arg0: i32, %arg1: i32, %arg2: memref<2560x128xi32, #tpu.memory_space<hbm>>, %arg3: memref<10112xf32, #tpu.memory_space<hbm>>, %arg4: memref<2560x128xf32, #tpu.memory_space<hbm>>, %arg5: memref<10112xf32, #tpu.memory_space<vmem_shared>>, %arg6: memref<80x128xi32, #tpu.memory_space<vmem>>, %arg7: memref<80x128xf32, #tpu.memory_space<vmem>>, %arg8: memref<!tpu.dma_semaphore, #tpu.memory_space<semaphore_mem>>) attributes {dimension_semantics = [#tpu.dimension_semantics<core_parallel>, #tpu.dimension_semantics<subcore_parallel>], iteration_bounds = array<i64: 2, 16>, scalar_prefetch = 0 : i64, scratch_operands = 4 : i64, tpu.core_type = #tpu.core_type<sc_vector_subcore>, window_params = [{transform_indices = #map}, {transform_indices = #map1}, {transform_indices = #map}]} {
    %mul3A = arith.constant 16 : i32
    %mul3A_0 = arith.muli %arg0, %mul3A : i32
    %add3A = arith.addi %mul3A_0, %arg1 : i32
    %mul3A_1 = arith.constant 80 : i32
    %mul3A_2 = arith.muli %add3A, %mul3A_1 : i32
    %eq3A = arith.constant 0 : i32
    %eq3A_3 = arith.cmpi eq, %arg1, %eq3A : i32
    %convert_element_type3A = arith.extui %eq3A_3 : i1 to i32
    %cond3A = arith.constant 0 : i32
    %cond3A_4 = arith.cmpi ne, %convert_element_type3A, %cond3A : i32
    scf.if %cond3A_4 {
      "tpu.region"() ({
        %run_scoped3A = tpu.sem_alloc : memref<!tpu.dma_semaphore, #tpu.memory_space<semaphore_mem>>
        tpu.enqueue_dma source(%arg3 : memref<10112xf32, #tpu.memory_space<hbm>>) target(%arg5 : memref<10112xf32, #tpu.memory_space<vmem_shared>>) target_semaphore(%run_scoped3A : memref<!tpu.dma_semaphore, #tpu.memory_space<semaphore_mem>>)
        tpu.wait_dma2 semaphore(%run_scoped3A : memref<!tpu.dma_semaphore, #tpu.memory_space<semaphore_mem>>) src(%arg3 : memref<10112xf32, #tpu.memory_space<hbm>>) dst(%arg5 : memref<10112xf32, #tpu.memory_space<vmem_shared>>)
        tpu.yield
      }) : () -> ()
    } else {
    }
    "tpu.region"() ({
      %run_scoped3A = tpu.sem_alloc : memref<!tpu.dma_semaphore, #tpu.memory_space<semaphore_mem>>
      %dma_start3A = arith.constant 0 : i32
      %dma_start3A_10 = tpu.memref_slice %arg2[%mul3A_2, %dma_start3A] : memref<2560x128xi32, #tpu.memory_space<hbm>> -> memref<80x128xi32, #tpu.memory_space<hbm>>
      %dma_start3A_11 = arith.constant 0 : i32
      %dma_start3A_12 = tpu.memref_slice %arg2[%mul3A_2, %dma_start3A_11] : memref<2560x128xi32, #tpu.memory_space<hbm>> -> memref<80x128xi32, #tpu.memory_space<hbm>>
      tpu.enqueue_dma source(%dma_start3A_12 : memref<80x128xi32, #tpu.memory_space<hbm>>) target(%arg6 : memref<80x128xi32, #tpu.memory_space<vmem>>) target_semaphore(%run_scoped3A : memref<!tpu.dma_semaphore, #tpu.memory_space<semaphore_mem>>)
      %dma_wait3A = arith.constant 0 : i32
      %dma_wait3A_13 = tpu.memref_slice %arg2[%mul3A_2, %dma_wait3A] : memref<2560x128xi32, #tpu.memory_space<hbm>> -> memref<80x128xi32, #tpu.memory_space<hbm>>
      %dma_wait3A_14 = arith.constant 0 : i32
      %dma_wait3A_15 = tpu.memref_slice %arg2[%mul3A_2, %dma_wait3A_14] : memref<2560x128xi32, #tpu.memory_space<hbm>> -> memref<80x128xi32, #tpu.memory_space<hbm>>
      tpu.wait_dma2 semaphore(%run_scoped3A : memref<!tpu.dma_semaphore, #tpu.memory_space<semaphore_mem>>) src(%dma_wait3A_15 : memref<80x128xi32, #tpu.memory_space<hbm>>) dst(%arg6 : memref<80x128xi32, #tpu.memory_space<vmem>>)
      tpu.yield
    }) : () -> ()
    %barrier3A = arith.constant 0 : index
    tpu.barrier barrier_id(%barrier3A)
    %scan3A = arith.constant 0 : i32
    %scan3A_5 = arith.constant 0 : i32
    %scan3A_6 = arith.constant 16 : i32
    %scan3A_7 = arith.addi %scan3A_5, %scan3A_6 : i32
    %scan3A_8 = arith.constant 1 : i32
    scf.for %scan3A_10 = %scan3A_5 to %scan3A_7 step %scan3A_8  : i32 {
      %mul3A_11 = arith.constant 5 : i32
      %mul3A_12 = arith.muli %scan3A_10, %mul3A_11 : i32
      %add3A_13 = arith.constant 0 : i32
      %add3A_14 = arith.addi %mul3A_12, %add3A_13 : i32
      %dma_start3A = arith.constant 0 : i32
      %dma_start3A_15 = tpu.memref_slice %arg7[%add3A_14, %dma_start3A] : memref<80x128xf32, #tpu.memory_space<vmem>> -> memref<1x128xf32, #tpu.memory_space<vmem>>
      %dma_start3A_16 = tpu.memref_squeeze %dma_start3A_15 : memref<1x128xf32, #tpu.memory_space<vmem>> -> memref<128xf32, #tpu.memory_space<vmem>>
      %dma_start3A_17 = arith.constant 0 : i32
      %dma_start3A_18 = tpu.memref_slice %arg6[%add3A_14, %dma_start3A_17] : memref<80x128xi32, #tpu.memory_space<vmem>> -> memref<1x128xi32, #tpu.memory_space<vmem>>
      %dma_start3A_19 = tpu.memref_squeeze %dma_start3A_18 : memref<1x128xi32, #tpu.memory_space<vmem>> -> memref<128xi32, #tpu.memory_space<vmem>>
      %dma_start3A_20 = arith.constant 0 : i32
      %dma_start3A_21 = tpu.memref_slice %arg5[%dma_start3A_20] : memref<10112xf32, #tpu.memory_space<vmem_shared>> -> memref<10112xf32, #tpu.memory_space<vmem_shared>>
      tpu.enqueue_indirect_dma source(%dma_start3A_21 : memref<10112xf32, #tpu.memory_space<vmem_shared>>) target(%dma_start3A_16 : memref<128xf32, #tpu.memory_space<vmem>>) offsets(%dma_start3A_19 : memref<128xi32, #tpu.memory_space<vmem>>) semaphore(%arg8 : memref<!tpu.dma_semaphore, #tpu.memory_space<semaphore_mem>>)
      %mul3A_22 = arith.constant 5 : i32
      %mul3A_23 = arith.muli %scan3A_10, %mul3A_22 : i32
      %add3A_24 = arith.constant 1 : i32
      %add3A_25 = arith.addi %mul3A_23, %add3A_24 : i32
      %dma_start3A_26 = arith.constant 0 : i32
      %dma_start3A_27 = tpu.memref_slice %arg7[%add3A_25, %dma_start3A_26] : memref<80x128xf32, #tpu.memory_space<vmem>> -> memref<1x128xf32, #tpu.memory_space<vmem>>
      %dma_start3A_28 = tpu.memref_squeeze %dma_start3A_27 : memref<1x128xf32, #tpu.memory_space<vmem>> -> memref<128xf32, #tpu.memory_space<vmem>>
      %dma_start3A_29 = arith.constant 0 : i32
      %dma_start3A_30 = tpu.memref_slice %arg6[%add3A_25, %dma_start3A_29] : memref<80x128xi32, #tpu.memory_space<vmem>> -> memref<1x128xi32, #tpu.memory_space<vmem>>
      %dma_start3A_31 = tpu.memref_squeeze %dma_start3A_30 : memref<1x128xi32, #tpu.memory_space<vmem>> -> memref<128xi32, #tpu.memory_space<vmem>>
      %dma_start3A_32 = arith.constant 0 : i32
      %dma_start3A_33 = tpu.memref_slice %arg5[%dma_start3A_32] : memref<10112xf32, #tpu.memory_space<vmem_shared>> -> memref<10112xf32, #tpu.memory_space<vmem_shared>>
      tpu.enqueue_indirect_dma source(%dma_start3A_33 : memref<10112xf32, #tpu.memory_space<vmem_shared>>) target(%dma_start3A_28 : memref<128xf32, #tpu.memory_space<vmem>>) offsets(%dma_start3A_31 : memref<128xi32, #tpu.memory_space<vmem>>) semaphore(%arg8 : memref<!tpu.dma_semaphore, #tpu.memory_space<semaphore_mem>>)
      %mul3A_34 = arith.constant 5 : i32
      %mul3A_35 = arith.muli %scan3A_10, %mul3A_34 : i32
      %add3A_36 = arith.constant 2 : i32
      %add3A_37 = arith.addi %mul3A_35, %add3A_36 : i32
      %dma_start3A_38 = arith.constant 0 : i32
      %dma_start3A_39 = tpu.memref_slice %arg7[%add3A_37, %dma_start3A_38] : memref<80x128xf32, #tpu.memory_space<vmem>> -> memref<1x128xf32, #tpu.memory_space<vmem>>
      %dma_start3A_40 = tpu.memref_squeeze %dma_start3A_39 : memref<1x128xf32, #tpu.memory_space<vmem>> -> memref<128xf32, #tpu.memory_space<vmem>>
      %dma_start3A_41 = arith.constant 0 : i32
      %dma_start3A_42 = tpu.memref_slice %arg6[%add3A_37, %dma_start3A_41] : memref<80x128xi32, #tpu.memory_space<vmem>> -> memref<1x128xi32, #tpu.memory_space<vmem>>
      %dma_start3A_43 = tpu.memref_squeeze %dma_start3A_42 : memref<1x128xi32, #tpu.memory_space<vmem>> -> memref<128xi32, #tpu.memory_space<vmem>>
      %dma_start3A_44 = arith.constant 0 : i32
      %dma_start3A_45 = tpu.memref_slice %arg5[%dma_start3A_44] : memref<10112xf32, #tpu.memory_space<vmem_shared>> -> memref<10112xf32, #tpu.memory_space<vmem_shared>>
      tpu.enqueue_indirect_dma source(%dma_start3A_45 : memref<10112xf32, #tpu.memory_space<vmem_shared>>) target(%dma_start3A_40 : memref<128xf32, #tpu.memory_space<vmem>>) offsets(%dma_start3A_43 : memref<128xi32, #tpu.memory_space<vmem>>) semaphore(%arg8 : memref<!tpu.dma_semaphore, #tpu.memory_space<semaphore_mem>>)
      %mul3A_46 = arith.constant 5 : i32
      %mul3A_47 = arith.muli %scan3A_10, %mul3A_46 : i32
      %add3A_48 = arith.constant 3 : i32
      %add3A_49 = arith.addi %mul3A_47, %add3A_48 : i32
      %dma_start3A_50 = arith.constant 0 : i32
      %dma_start3A_51 = tpu.memref_slice %arg7[%add3A_49, %dma_start3A_50] : memref<80x128xf32, #tpu.memory_space<vmem>> -> memref<1x128xf32, #tpu.memory_space<vmem>>
      %dma_start3A_52 = tpu.memref_squeeze %dma_start3A_51 : memref<1x128xf32, #tpu.memory_space<vmem>> -> memref<128xf32, #tpu.memory_space<vmem>>
      %dma_start3A_53 = arith.constant 0 : i32
      %dma_start3A_54 = tpu.memref_slice %arg6[%add3A_49, %dma_start3A_53] : memref<80x128xi32, #tpu.memory_space<vmem>> -> memref<1x128xi32, #tpu.memory_space<vmem>>
      %dma_start3A_55 = tpu.memref_squeeze %dma_start3A_54 : memref<1x128xi32, #tpu.memory_space<vmem>> -> memref<128xi32, #tpu.memory_space<vmem>>
      %dma_start3A_56 = arith.constant 0 : i32
      %dma_start3A_57 = tpu.memref_slice %arg5[%dma_start3A_56] : memref<10112xf32, #tpu.memory_space<vmem_shared>> -> memref<10112xf32, #tpu.memory_space<vmem_shared>>
      tpu.enqueue_indirect_dma source(%dma_start3A_57 : memref<10112xf32, #tpu.memory_space<vmem_shared>>) target(%dma_start3A_52 : memref<128xf32, #tpu.memory_space<vmem>>) offsets(%dma_start3A_55 : memref<128xi32, #tpu.memory_space<vmem>>) semaphore(%arg8 : memref<!tpu.dma_semaphore, #tpu.memory_space<semaphore_mem>>)
      %mul3A_58 = arith.constant 5 : i32
      %mul3A_59 = arith.muli %scan3A_10, %mul3A_58 : i32
      %add3A_60 = arith.constant 4 : i32
      %add3A_61 = arith.addi %mul3A_59, %add3A_60 : i32
      %dma_start3A_62 = arith.constant 0 : i32
      %dma_start3A_63 = tpu.memref_slice %arg7[%add3A_61, %dma_start3A_62] : memref<80x128xf32, #tpu.memory_space<vmem>> -> memref<1x128xf32, #tpu.memory_space<vmem>>
      %dma_start3A_64 = tpu.memref_squeeze %dma_start3A_63 : memref<1x128xf32, #tpu.memory_space<vmem>> -> memref<128xf32, #tpu.memory_space<vmem>>
      %dma_start3A_65 = arith.constant 0 : i32
      %dma_start3A_66 = tpu.memref_slice %arg6[%add3A_61, %dma_start3A_65] : memref<80x128xi32, #tpu.memory_space<vmem>> -> memref<1x128xi32, #tpu.memory_space<vmem>>
      %dma_start3A_67 = tpu.memref_squeeze %dma_start3A_66 : memref<1x128xi32, #tpu.memory_space<vmem>> -> memref<128xi32, #tpu.memory_space<vmem>>
      %dma_start3A_68 = arith.constant 0 : i32
      %dma_start3A_69 = tpu.memref_slice %arg5[%dma_start3A_68] : memref<10112xf32, #tpu.memory_space<vmem_shared>> -> memref<10112xf32, #tpu.memory_space<vmem_shared>>
      tpu.enqueue_indirect_dma source(%dma_start3A_69 : memref<10112xf32, #tpu.memory_space<vmem_shared>>) target(%dma_start3A_64 : memref<128xf32, #tpu.memory_space<vmem>>) offsets(%dma_start3A_67 : memref<128xi32, #tpu.memory_space<vmem>>) semaphore(%arg8 : memref<!tpu.dma_semaphore, #tpu.memory_space<semaphore_mem>>)
      %dma_wait3A = arith.constant 0 : i32
      %dma_wait3A_70 = tpu.memref_slice %arg7[%add3A_14, %dma_wait3A] : memref<80x128xf32, #tpu.memory_space<vmem>> -> memref<1x128xf32, #tpu.memory_space<vmem>>
      %dma_wait3A_71 = tpu.memref_squeeze %dma_wait3A_70 : memref<1x128xf32, #tpu.memory_space<vmem>> -> memref<128xf32, #tpu.memory_space<vmem>>
      %dma_wait3A_72 = arith.constant 0 : i32
      %dma_wait3A_73 = tpu.memref_slice %arg6[%add3A_14, %dma_wait3A_72] : memref<80x128xi32, #tpu.memory_space<vmem>> -> memref<1x128xi32, #tpu.memory_space<vmem>>
      %dma_wait3A_74 = tpu.memref_squeeze %dma_wait3A_73 : memref<1x128xi32, #tpu.memory_space<vmem>> -> memref<128xi32, #tpu.memory_space<vmem>>
      %dma_wait3A_75 = arith.constant 0 : i32
      %dma_wait3A_76 = tpu.memref_slice %arg5[%dma_wait3A_75] : memref<10112xf32, #tpu.memory_space<vmem_shared>> -> memref<10112xf32, #tpu.memory_space<vmem_shared>>
      tpu.wait_indirect_dma semaphore(%arg8 : memref<!tpu.dma_semaphore, #tpu.memory_space<semaphore_mem>>) src(%dma_wait3A_76 : memref<10112xf32, #tpu.memory_space<vmem_shared>>) dst(%dma_wait3A_71 : memref<128xf32, #tpu.memory_space<vmem>>)
      %dma_wait3A_77 = arith.constant 0 : i32
      %dma_wait3A_78 = tpu.memref_slice %arg7[%add3A_25, %dma_wait3A_77] : memref<80x128xf32, #tpu.memory_space<vmem>> -> memref<1x128xf32, #tpu.memory_space<vmem>>
      %dma_wait3A_79 = tpu.memref_squeeze %dma_wait3A_78 : memref<1x128xf32, #tpu.memory_space<vmem>> -> memref<128xf32, #tpu.memory_space<vmem>>
      %dma_wait3A_80 = arith.constant 0 : i32
      %dma_wait3A_81 = tpu.memref_slice %arg6[%add3A_25, %dma_wait3A_80] : memref<80x128xi32, #tpu.memory_space<vmem>> -> memref<1x128xi32, #tpu.memory_space<vmem>>
      %dma_wait3A_82 = tpu.memref_squeeze %dma_wait3A_81 : memref<1x128xi32, #tpu.memory_space<vmem>> -> memref<128xi32, #tpu.memory_space<vmem>>
      %dma_wait3A_83 = arith.constant 0 : i32
      %dma_wait3A_84 = tpu.memref_slice %arg5[%dma_wait3A_83] : memref<10112xf32, #tpu.memory_space<vmem_shared>> -> memref<10112xf32, #tpu.memory_space<vmem_shared>>
      tpu.wait_indirect_dma semaphore(%arg8 : memref<!tpu.dma_semaphore, #tpu.memory_space<semaphore_mem>>) src(%dma_wait3A_84 : memref<10112xf32, #tpu.memory_space<vmem_shared>>) dst(%dma_wait3A_79 : memref<128xf32, #tpu.memory_space<vmem>>)
      %dma_wait3A_85 = arith.constant 0 : i32
      %dma_wait3A_86 = tpu.memref_slice %arg7[%add3A_37, %dma_wait3A_85] : memref<80x128xf32, #tpu.memory_space<vmem>> -> memref<1x128xf32, #tpu.memory_space<vmem>>
      %dma_wait3A_87 = tpu.memref_squeeze %dma_wait3A_86 : memref<1x128xf32, #tpu.memory_space<vmem>> -> memref<128xf32, #tpu.memory_space<vmem>>
      %dma_wait3A_88 = arith.constant 0 : i32
      %dma_wait3A_89 = tpu.memref_slice %arg6[%add3A_37, %dma_wait3A_88] : memref<80x128xi32, #tpu.memory_space<vmem>> -> memref<1x128xi32, #tpu.memory_space<vmem>>
      %dma_wait3A_90 = tpu.memref_squeeze %dma_wait3A_89 : memref<1x128xi32, #tpu.memory_space<vmem>> -> memref<128xi32, #tpu.memory_space<vmem>>
      %dma_wait3A_91 = arith.constant 0 : i32
      %dma_wait3A_92 = tpu.memref_slice %arg5[%dma_wait3A_91] : memref<10112xf32, #tpu.memory_space<vmem_shared>> -> memref<10112xf32, #tpu.memory_space<vmem_shared>>
      tpu.wait_indirect_dma semaphore(%arg8 : memref<!tpu.dma_semaphore, #tpu.memory_space<semaphore_mem>>) src(%dma_wait3A_92 : memref<10112xf32, #tpu.memory_space<vmem_shared>>) dst(%dma_wait3A_87 : memref<128xf32, #tpu.memory_space<vmem>>)
      %dma_wait3A_93 = arith.constant 0 : i32
      %dma_wait3A_94 = tpu.memref_slice %arg7[%add3A_49, %dma_wait3A_93] : memref<80x128xf32, #tpu.memory_space<vmem>> -> memref<1x128xf32, #tpu.memory_space<vmem>>
      %dma_wait3A_95 = tpu.memref_squeeze %dma_wait3A_94 : memref<1x128xf32, #tpu.memory_space<vmem>> -> memref<128xf32, #tpu.memory_space<vmem>>
      %dma_wait3A_96 = arith.constant 0 : i32
      %dma_wait3A_97 = tpu.memref_slice %arg6[%add3A_49, %dma_wait3A_96] : memref<80x128xi32, #tpu.memory_space<vmem>> -> memref<1x128xi32, #tpu.memory_space<vmem>>
      %dma_wait3A_98 = tpu.memref_squeeze %dma_wait3A_97 : memref<1x128xi32, #tpu.memory_space<vmem>> -> memref<128xi32, #tpu.memory_space<vmem>>
      %dma_wait3A_99 = arith.constant 0 : i32
      %dma_wait3A_100 = tpu.memref_slice %arg5[%dma_wait3A_99] : memref<10112xf32, #tpu.memory_space<vmem_shared>> -> memref<10112xf32, #tpu.memory_space<vmem_shared>>
      tpu.wait_indirect_dma semaphore(%arg8 : memref<!tpu.dma_semaphore, #tpu.memory_space<semaphore_mem>>) src(%dma_wait3A_100 : memref<10112xf32, #tpu.memory_space<vmem_shared>>) dst(%dma_wait3A_95 : memref<128xf32, #tpu.memory_space<vmem>>)
      %dma_wait3A_101 = arith.constant 0 : i32
      %dma_wait3A_102 = tpu.memref_slice %arg7[%add3A_61, %dma_wait3A_101] : memref<80x128xf32, #tpu.memory_space<vmem>> -> memref<1x128xf32, #tpu.memory_space<vmem>>
      %dma_wait3A_103 = tpu.memref_squeeze %dma_wait3A_102 : memref<1x128xf32, #tpu.memory_space<vmem>> -> memref<128xf32, #tpu.memory_space<vmem>>
      %dma_wait3A_104 = arith.constant 0 : i32
      %dma_wait3A_105 = tpu.memref_slice %arg6[%add3A_61, %dma_wait3A_104] : memref<80x128xi32, #tpu.memory_space<vmem>> -> memref<1x128xi32, #tpu.memory_space<vmem>>
      %dma_wait3A_106 = tpu.memref_squeeze %dma_wait3A_105 : memref<1x128xi32, #tpu.memory_space<vmem>> -> memref<128xi32, #tpu.memory_space<vmem>>
      %dma_wait3A_107 = arith.constant 0 : i32
      %dma_wait3A_108 = tpu.memref_slice %arg5[%dma_wait3A_107] : memref<10112xf32, #tpu.memory_space<vmem_shared>> -> memref<10112xf32, #tpu.memory_space<vmem_shared>>
      tpu.wait_indirect_dma semaphore(%arg8 : memref<!tpu.dma_semaphore, #tpu.memory_space<semaphore_mem>>) src(%dma_wait3A_108 : memref<10112xf32, #tpu.memory_space<vmem_shared>>) dst(%dma_wait3A_103 : memref<128xf32, #tpu.memory_space<vmem>>)
    }
    %scan3A_9 = arith.constant 16 : i32
    "tpu.region"() ({
      %run_scoped3A = tpu.sem_alloc : memref<!tpu.dma_semaphore, #tpu.memory_space<semaphore_mem>>
      %dma_start3A = arith.constant 0 : i32
      %dma_start3A_10 = tpu.memref_slice %arg4[%mul3A_2, %dma_start3A] : memref<2560x128xf32, #tpu.memory_space<hbm>> -> memref<80x128xf32, #tpu.memory_space<hbm>>
      %dma_start3A_11 = arith.constant 0 : i32
      %dma_start3A_12 = tpu.memref_slice %arg4[%mul3A_2, %dma_start3A_11] : memref<2560x128xf32, #tpu.memory_space<hbm>> -> memref<80x128xf32, #tpu.memory_space<hbm>>
      tpu.enqueue_dma source(%arg7 : memref<80x128xf32, #tpu.memory_space<vmem>>) target(%dma_start3A_12 : memref<80x128xf32, #tpu.memory_space<hbm>>) target_semaphore(%run_scoped3A : memref<!tpu.dma_semaphore, #tpu.memory_space<semaphore_mem>>)
      %dma_wait3A = arith.constant 0 : i32
      %dma_wait3A_13 = tpu.memref_slice %arg4[%mul3A_2, %dma_wait3A] : memref<2560x128xf32, #tpu.memory_space<hbm>> -> memref<80x128xf32, #tpu.memory_space<hbm>>
      %dma_wait3A_14 = arith.constant 0 : i32
      %dma_wait3A_15 = tpu.memref_slice %arg4[%mul3A_2, %dma_wait3A_14] : memref<2560x128xf32, #tpu.memory_space<hbm>> -> memref<80x128xf32, #tpu.memory_space<hbm>>
      tpu.wait_dma2 semaphore(%run_scoped3A : memref<!tpu.dma_semaphore, #tpu.memory_space<semaphore_mem>>) src(%arg7 : memref<80x128xf32, #tpu.memory_space<vmem>>) dst(%dma_wait3A_15 : memref<80x128xf32, #tpu.memory_space<hbm>>)
      tpu.yield
    }) : () -> ()
    return
  }
}

#map = affine_map<(d0, d1) -> (0, 0)>
#map1 = affine_map<(d0, d1) -> (0)>
module attributes {stable_mosaic.version = 14 : i64} {
  func.func @_seg_sum(%arg0: i32, %arg1: i32, %arg2: memref<2560x128xf32, #tpu.memory_space<hbm>>, %arg3: memref<2560x128xi32, #tpu.memory_space<hbm>>, %arg4: memref<10112xf32, #tpu.memory_space<hbm>>, %arg5: memref<10112xf32, #tpu.memory_space<hbm>>, %arg6: memref<10112xf32, #tpu.memory_space<vmem_shared>>, %arg7: memref<160x128xi32, #tpu.memory_space<vmem>>, %arg8: memref<160x128xf32, #tpu.memory_space<vmem>>) attributes {dimension_semantics = [#tpu.dimension_semantics<core_parallel>, #tpu.dimension_semantics<subcore_parallel>], iteration_bounds = array<i64: 2, 16>, scalar_prefetch = 0 : i64, scratch_operands = 3 : i64, tpu.core_type = #tpu.core_type<sc_vector_subcore>, window_params = [{transform_indices = #map}, {transform_indices = #map}, {transform_indices = #map1}, {transform_indices = #map1}]} {
    %eq3A = arith.constant 0 : i32
    %eq3A_0 = arith.cmpi eq, %arg0, %eq3A : i32
    %convert_element_type3A = arith.extui %eq3A_0 : i1 to i32
    %cond3A = arith.constant 0 : i32
    %cond3A_1 = arith.cmpi ne, %convert_element_type3A, %cond3A : i32
    scf.if %cond3A_1 {
      %mul3A = arith.constant 160 : i32
      %mul3A_2 = arith.muli %arg1, %mul3A : i32
      %eq3A_3 = arith.constant 0 : i32
      %eq3A_4 = arith.cmpi eq, %arg1, %eq3A_3 : i32
      %convert_element_type3A_5 = arith.extui %eq3A_4 : i1 to i32
      %cond3A_6 = arith.constant 0 : i32
      %cond3A_7 = arith.cmpi ne, %convert_element_type3A_5, %cond3A_6 : i32
      scf.if %cond3A_7 {
        "tpu.region"() ({
          %run_scoped3A = tpu.sem_alloc : memref<!tpu.dma_semaphore, #tpu.memory_space<semaphore_mem>>
          tpu.enqueue_dma source(%arg4 : memref<10112xf32, #tpu.memory_space<hbm>>) target(%arg6 : memref<10112xf32, #tpu.memory_space<vmem_shared>>) target_semaphore(%run_scoped3A : memref<!tpu.dma_semaphore, #tpu.memory_space<semaphore_mem>>)
          tpu.wait_dma2 semaphore(%run_scoped3A : memref<!tpu.dma_semaphore, #tpu.memory_space<semaphore_mem>>) src(%arg4 : memref<10112xf32, #tpu.memory_space<hbm>>) dst(%arg6 : memref<10112xf32, #tpu.memory_space<vmem_shared>>)
          tpu.yield
        }) : () -> ()
      } else {
      }
      "tpu.region"() ({
        %run_scoped3A = tpu.sem_alloc : memref<!tpu.dma_semaphore, #tpu.memory_space<semaphore_mem>>
        %dma_start3A = arith.constant 0 : i32
        %dma_start3A_19 = tpu.memref_slice %arg3[%mul3A_2, %dma_start3A] : memref<2560x128xi32, #tpu.memory_space<hbm>> -> memref<160x128xi32, #tpu.memory_space<hbm>>
        %dma_start3A_20 = arith.constant 0 : i32
        %dma_start3A_21 = tpu.memref_slice %arg3[%mul3A_2, %dma_start3A_20] : memref<2560x128xi32, #tpu.memory_space<hbm>> -> memref<160x128xi32, #tpu.memory_space<hbm>>
        tpu.enqueue_dma source(%dma_start3A_21 : memref<160x128xi32, #tpu.memory_space<hbm>>) target(%arg7 : memref<160x128xi32, #tpu.memory_space<vmem>>) target_semaphore(%run_scoped3A : memref<!tpu.dma_semaphore, #tpu.memory_space<semaphore_mem>>)
        %dma_wait3A = arith.constant 0 : i32
        %dma_wait3A_22 = tpu.memref_slice %arg3[%mul3A_2, %dma_wait3A] : memref<2560x128xi32, #tpu.memory_space<hbm>> -> memref<160x128xi32, #tpu.memory_space<hbm>>
        %dma_wait3A_23 = arith.constant 0 : i32
        %dma_wait3A_24 = tpu.memref_slice %arg3[%mul3A_2, %dma_wait3A_23] : memref<2560x128xi32, #tpu.memory_space<hbm>> -> memref<160x128xi32, #tpu.memory_space<hbm>>
        tpu.wait_dma2 semaphore(%run_scoped3A : memref<!tpu.dma_semaphore, #tpu.memory_space<semaphore_mem>>) src(%dma_wait3A_24 : memref<160x128xi32, #tpu.memory_space<hbm>>) dst(%arg7 : memref<160x128xi32, #tpu.memory_space<vmem>>)
        tpu.yield
      }) : () -> ()
      "tpu.region"() ({
        %run_scoped3A = tpu.sem_alloc : memref<!tpu.dma_semaphore, #tpu.memory_space<semaphore_mem>>
        %dma_start3A = arith.constant 0 : i32
        %dma_start3A_19 = tpu.memref_slice %arg2[%mul3A_2, %dma_start3A] : memref<2560x128xf32, #tpu.memory_space<hbm>> -> memref<160x128xf32, #tpu.memory_space<hbm>>
        %dma_start3A_20 = arith.constant 0 : i32
        %dma_start3A_21 = tpu.memref_slice %arg2[%mul3A_2, %dma_start3A_20] : memref<2560x128xf32, #tpu.memory_space<hbm>> -> memref<160x128xf32, #tpu.memory_space<hbm>>
        tpu.enqueue_dma source(%dma_start3A_21 : memref<160x128xf32, #tpu.memory_space<hbm>>) target(%arg8 : memref<160x128xf32, #tpu.memory_space<vmem>>) target_semaphore(%run_scoped3A : memref<!tpu.dma_semaphore, #tpu.memory_space<semaphore_mem>>)
        %dma_wait3A = arith.constant 0 : i32
        %dma_wait3A_22 = tpu.memref_slice %arg2[%mul3A_2, %dma_wait3A] : memref<2560x128xf32, #tpu.memory_space<hbm>> -> memref<160x128xf32, #tpu.memory_space<hbm>>
        %dma_wait3A_23 = arith.constant 0 : i32
        %dma_wait3A_24 = tpu.memref_slice %arg2[%mul3A_2, %dma_wait3A_23] : memref<2560x128xf32, #tpu.memory_space<hbm>> -> memref<160x128xf32, #tpu.memory_space<hbm>>
        tpu.wait_dma2 semaphore(%run_scoped3A : memref<!tpu.dma_semaphore, #tpu.memory_space<semaphore_mem>>) src(%dma_wait3A_24 : memref<160x128xf32, #tpu.memory_space<hbm>>) dst(%arg8 : memref<160x128xf32, #tpu.memory_space<vmem>>)
        tpu.yield
      }) : () -> ()
      %barrier3A = arith.constant 0 : index
      tpu.barrier barrier_id(%barrier3A)
      %scan3A = arith.constant 0 : i32
      %scan3A_8 = arith.constant 0 : i32
      %scan3A_9 = arith.constant 160 : i32
      %scan3A_10 = arith.addi %scan3A_8, %scan3A_9 : i32
      %scan3A_11 = arith.constant 1 : i32
      scf.for %scan3A_19 = %scan3A_8 to %scan3A_10 step %scan3A_11  : i32 {
        "tpu.region"() ({
          %run_scoped3A = tpu.sem_alloc : memref<!tpu.dma_semaphore, #tpu.memory_space<semaphore_mem>>
          %dma_start3A = arith.constant 0 : i32
          %dma_start3A_20 = tpu.memref_slice %arg8[%scan3A_19, %dma_start3A] : memref<160x128xf32, #tpu.memory_space<vmem>> -> memref<1x128xf32, #tpu.memory_space<vmem>>
          %dma_start3A_21 = tpu.memref_squeeze %dma_start3A_20 : memref<1x128xf32, #tpu.memory_space<vmem>> -> memref<128xf32, #tpu.memory_space<vmem>>
          %dma_start3A_22 = arith.constant 0 : i32
          %dma_start3A_23 = tpu.memref_slice %arg7[%scan3A_19, %dma_start3A_22] : memref<160x128xi32, #tpu.memory_space<vmem>> -> memref<1x128xi32, #tpu.memory_space<vmem>>
          %dma_start3A_24 = tpu.memref_squeeze %dma_start3A_23 : memref<1x128xi32, #tpu.memory_space<vmem>> -> memref<128xi32, #tpu.memory_space<vmem>>
          %dma_start3A_25 = arith.constant 0 : i32
          %dma_start3A_26 = tpu.memref_slice %arg6[%dma_start3A_25] : memref<10112xf32, #tpu.memory_space<vmem_shared>> -> memref<10112xf32, #tpu.memory_space<vmem_shared>>
          tpu.enqueue_indirect_dma source(%dma_start3A_21 : memref<128xf32, #tpu.memory_space<vmem>>) target(%dma_start3A_26 : memref<10112xf32, #tpu.memory_space<vmem_shared>>) offsets(%dma_start3A_24 : memref<128xi32, #tpu.memory_space<vmem>>) semaphore(%run_scoped3A : memref<!tpu.dma_semaphore, #tpu.memory_space<semaphore_mem>>) {add = true}
          %dma_wait3A = arith.constant 0 : i32
          %dma_wait3A_27 = tpu.memref_slice %arg8[%scan3A_19, %dma_wait3A] : memref<160x128xf32, #tpu.memory_space<vmem>> -> memref<1x128xf32, #tpu.memory_space<vmem>>
          %dma_wait3A_28 = tpu.memref_squeeze %dma_wait3A_27 : memref<1x128xf32, #tpu.memory_space<vmem>> -> memref<128xf32, #tpu.memory_space<vmem>>
          %dma_wait3A_29 = arith.constant 0 : i32
          %dma_wait3A_30 = tpu.memref_slice %arg7[%scan3A_19, %dma_wait3A_29] : memref<160x128xi32, #tpu.memory_space<vmem>> -> memref<1x128xi32, #tpu.memory_space<vmem>>
          %dma_wait3A_31 = tpu.memref_squeeze %dma_wait3A_30 : memref<1x128xi32, #tpu.memory_space<vmem>> -> memref<128xi32, #tpu.memory_space<vmem>>
          %dma_wait3A_32 = arith.constant 0 : i32
          %dma_wait3A_33 = tpu.memref_slice %arg6[%dma_wait3A_32] : memref<10112xf32, #tpu.memory_space<vmem_shared>> -> memref<10112xf32, #tpu.memory_space<vmem_shared>>
          tpu.wait_indirect_dma semaphore(%run_scoped3A : memref<!tpu.dma_semaphore, #tpu.memory_space<semaphore_mem>>) src(%dma_wait3A_28 : memref<128xf32, #tpu.memory_space<vmem>>) dst(%dma_wait3A_33 : memref<10112xf32, #tpu.memory_space<vmem_shared>>)
          tpu.yield
        }) : () -> ()
      }
      %scan3A_12 = arith.constant 160 : i32
      %barrier3A_13 = arith.constant 0 : index
      tpu.barrier barrier_id(%barrier3A_13)
      %eq3A_14 = arith.constant 0 : i32
      %eq3A_15 = arith.cmpi eq, %arg1, %eq3A_14 : i32
      %convert_element_type3A_16 = arith.extui %eq3A_15 : i1 to i32
      %cond3A_17 = arith.constant 0 : i32
      %cond3A_18 = arith.cmpi ne, %convert_element_type3A_16, %cond3A_17 : i32
      scf.if %cond3A_18 {
        "tpu.region"() ({
          %run_scoped3A = tpu.sem_alloc : memref<!tpu.dma_semaphore, #tpu.memory_space<semaphore_mem>>
          tpu.enqueue_dma source(%arg6 : memref<10112xf32, #tpu.memory_space<vmem_shared>>) target(%arg5 : memref<10112xf32, #tpu.memory_space<hbm>>) target_semaphore(%run_scoped3A : memref<!tpu.dma_semaphore, #tpu.memory_space<semaphore_mem>>)
          tpu.wait_dma2 semaphore(%run_scoped3A : memref<!tpu.dma_semaphore, #tpu.memory_space<semaphore_mem>>) src(%arg6 : memref<10112xf32, #tpu.memory_space<vmem_shared>>) dst(%arg5 : memref<10112xf32, #tpu.memory_space<hbm>>)
          tpu.yield
        }) : () -> ()
      } else {
      }
    } else {
    }
    return
  }
}

#map = affine_map<(d0, d1) -> (0, 0)>
module attributes {stable_mosaic.version = 14 : i64} {
  func.func @_seg_agg(%arg0: i32, %arg1: i32, %arg2: memref<327680x128xf32, #tpu.memory_space<hbm>>, %arg3: memref<2560x128xi32, #tpu.memory_space<hbm>>, %arg4: memref<10112x128xf32, #tpu.memory_space<hbm>>, %arg5: memref<10112x128xf32, #tpu.memory_space<hbm>>, %arg6: memref<10112x128xf32, #tpu.memory_space<hbm>>, %arg7: memref<10112x128xf32, #tpu.memory_space<vmem_shared>>, %arg8: memref<80x128xi32, #tpu.memory_space<vmem>>, %arg9: memref<128x128xf32, #tpu.memory_space<vmem>>, %arg10: memref<128x128xf32, #tpu.memory_space<vmem>>, %arg11: memref<!tpu.dma_semaphore, #tpu.memory_space<semaphore_mem>>, %arg12: memref<!tpu.dma_semaphore, #tpu.memory_space<semaphore_mem>>, %arg13: memref<!tpu.dma_semaphore, #tpu.memory_space<semaphore_mem>>, %arg14: memref<!tpu.dma_semaphore, #tpu.memory_space<semaphore_mem>>) attributes {dimension_semantics = [#tpu.dimension_semantics<core_parallel>, #tpu.dimension_semantics<subcore_parallel>], iteration_bounds = array<i64: 2, 16>, scalar_prefetch = 0 : i64, scratch_operands = 8 : i64, tpu.core_type = #tpu.core_type<sc_vector_subcore>, window_params = [{transform_indices = #map}, {transform_indices = #map}, {transform_indices = #map}, {transform_indices = #map}, {transform_indices = #map}]} {
    %mul3A = arith.constant 16 : i32
    %mul3A_0 = arith.muli %arg0, %mul3A : i32
    %add3A = arith.addi %mul3A_0, %arg1 : i32
    %mul3A_1 = arith.constant 10240 : i32
    %mul3A_2 = arith.muli %add3A, %mul3A_1 : i32
    %mul3A_3 = arith.constant 80 : i32
    %mul3A_4 = arith.muli %add3A, %mul3A_3 : i32
    "tpu.region"() ({
      %run_scoped3A = tpu.sem_alloc : memref<!tpu.dma_semaphore, #tpu.memory_space<semaphore_mem>>
      %dma_start3A_33 = arith.constant 0 : i32
      %dma_start3A_34 = tpu.memref_slice %arg3[%mul3A_4, %dma_start3A_33] : memref<2560x128xi32, #tpu.memory_space<hbm>> -> memref<80x128xi32, #tpu.memory_space<hbm>>
      %dma_start3A_35 = arith.constant 0 : i32
      %dma_start3A_36 = tpu.memref_slice %arg3[%mul3A_4, %dma_start3A_35] : memref<2560x128xi32, #tpu.memory_space<hbm>> -> memref<80x128xi32, #tpu.memory_space<hbm>>
      tpu.enqueue_dma source(%dma_start3A_36 : memref<80x128xi32, #tpu.memory_space<hbm>>) target(%arg8 : memref<80x128xi32, #tpu.memory_space<vmem>>) target_semaphore(%run_scoped3A : memref<!tpu.dma_semaphore, #tpu.memory_space<semaphore_mem>>)
      %dma_wait3A = arith.constant 0 : i32
      %dma_wait3A_37 = tpu.memref_slice %arg3[%mul3A_4, %dma_wait3A] : memref<2560x128xi32, #tpu.memory_space<hbm>> -> memref<80x128xi32, #tpu.memory_space<hbm>>
      %dma_wait3A_38 = arith.constant 0 : i32
      %dma_wait3A_39 = tpu.memref_slice %arg3[%mul3A_4, %dma_wait3A_38] : memref<2560x128xi32, #tpu.memory_space<hbm>> -> memref<80x128xi32, #tpu.memory_space<hbm>>
      tpu.wait_dma2 semaphore(%run_scoped3A : memref<!tpu.dma_semaphore, #tpu.memory_space<semaphore_mem>>) src(%dma_wait3A_39 : memref<80x128xi32, #tpu.memory_space<hbm>>) dst(%arg8 : memref<80x128xi32, #tpu.memory_space<vmem>>)
      tpu.yield
    }) : () -> ()
    %mul3A_5 = arith.constant 632 : i32
    %mul3A_6 = arith.muli %arg1, %mul3A_5 : i32
    %mul3A_7 = arith.constant 632 : i32
    %mul3A_8 = arith.muli %arg1, %mul3A_7 : i32
    "tpu.region"() ({
      %run_scoped3A = tpu.sem_alloc : memref<!tpu.dma_semaphore, #tpu.memory_space<semaphore_mem>>
      %dma_start3A_33 = arith.constant 0 : i32
      %dma_start3A_34 = tpu.memref_slice %arg7[%mul3A_8, %dma_start3A_33] : memref<10112x128xf32, #tpu.memory_space<vmem_shared>> -> memref<632x128xf32, #tpu.memory_space<vmem_shared>>
      %dma_start3A_35 = arith.constant 0 : i32
      %dma_start3A_36 = tpu.memref_slice %arg4[%mul3A_6, %dma_start3A_35] : memref<10112x128xf32, #tpu.memory_space<hbm>> -> memref<632x128xf32, #tpu.memory_space<hbm>>
      tpu.enqueue_dma source(%dma_start3A_36 : memref<632x128xf32, #tpu.memory_space<hbm>>) target(%dma_start3A_34 : memref<632x128xf32, #tpu.memory_space<vmem_shared>>) target_semaphore(%run_scoped3A : memref<!tpu.dma_semaphore, #tpu.memory_space<semaphore_mem>>)
      %dma_wait3A = arith.constant 0 : i32
      %dma_wait3A_37 = tpu.memref_slice %arg7[%mul3A_8, %dma_wait3A] : memref<10112x128xf32, #tpu.memory_space<vmem_shared>> -> memref<632x128xf32, #tpu.memory_space<vmem_shared>>
      %dma_wait3A_38 = arith.constant 0 : i32
      %dma_wait3A_39 = tpu.memref_slice %arg4[%mul3A_6, %dma_wait3A_38] : memref<10112x128xf32, #tpu.memory_space<hbm>> -> memref<632x128xf32, #tpu.memory_space<hbm>>
      tpu.wait_dma2 semaphore(%run_scoped3A : memref<!tpu.dma_semaphore, #tpu.memory_space<semaphore_mem>>) src(%dma_wait3A_39 : memref<632x128xf32, #tpu.memory_space<hbm>>) dst(%dma_wait3A_37 : memref<632x128xf32, #tpu.memory_space<vmem_shared>>)
      tpu.yield
    }) : () -> ()
    %barrier3A = arith.constant 0 : index
    tpu.barrier barrier_id(%barrier3A)
    %add3A_9 = arith.constant 0 : i32
    %add3A_10 = arith.addi %mul3A_2, %add3A_9 : i32
    %dma_start3A = arith.constant 0 : i32
    %dma_start3A_11 = tpu.memref_slice %arg2[%add3A_10, %dma_start3A] : memref<327680x128xf32, #tpu.memory_space<hbm>> -> memref<128x128xf32, #tpu.memory_space<hbm>>
    %dma_start3A_12 = arith.constant 0 : i32
    %dma_start3A_13 = tpu.memref_slice %arg2[%add3A_10, %dma_start3A_12] : memref<327680x128xf32, #tpu.memory_space<hbm>> -> memref<128x128xf32, #tpu.memory_space<hbm>>
    tpu.enqueue_dma source(%dma_start3A_13 : memref<128x128xf32, #tpu.memory_space<hbm>>) target(%arg9 : memref<128x128xf32, #tpu.memory_space<vmem>>) target_semaphore(%arg11 : memref<!tpu.dma_semaphore, #tpu.memory_space<semaphore_mem>>)
    %add3A_14 = arith.constant 128 : i32
    %add3A_15 = arith.addi %mul3A_2, %add3A_14 : i32
    %dma_start3A_16 = arith.constant 0 : i32
    %dma_start3A_17 = tpu.memref_slice %arg2[%add3A_15, %dma_start3A_16] : memref<327680x128xf32, #tpu.memory_space<hbm>> -> memref<128x128xf32, #tpu.memory_space<hbm>>
    %dma_start3A_18 = arith.constant 0 : i32
    %dma_start3A_19 = tpu.memref_slice %arg2[%add3A_15, %dma_start3A_18] : memref<327680x128xf32, #tpu.memory_space<hbm>> -> memref<128x128xf32, #tpu.memory_space<hbm>>
    tpu.enqueue_dma source(%dma_start3A_19 : memref<128x128xf32, #tpu.memory_space<hbm>>) target(%arg10 : memref<128x128xf32, #tpu.memory_space<vmem>>) target_semaphore(%arg12 : memref<!tpu.dma_semaphore, #tpu.memory_space<semaphore_mem>>)
    %scan3A = arith.constant 0 : i32
    %scan3A_20 = arith.constant 0 : i32
    %scan3A_21 = arith.constant 40 : i32
    %scan3A_22 = arith.addi %scan3A_20, %scan3A_21 : i32
    %scan3A_23 = arith.constant 1 : i32
    scf.for %scan3A_33 = %scan3A_20 to %scan3A_22 step %scan3A_23  : i32 {
      %mul3A_34 = arith.constant 2 : i32
      %mul3A_35 = arith.muli %scan3A_33, %mul3A_34 : i32
      %add3A_36 = arith.constant 1 : i32
      %add3A_37 = arith.addi %mul3A_35, %add3A_36 : i32
      %mul3A_38 = arith.constant 128 : i32
      %mul3A_39 = arith.muli %mul3A_35, %mul3A_38 : i32
      %add3A_40 = arith.addi %mul3A_2, %mul3A_39 : i32
      %dma_wait3A = arith.constant 0 : i32
      %dma_wait3A_41 = tpu.memref_slice %arg2[%add3A_40, %dma_wait3A] : memref<327680x128xf32, #tpu.memory_space<hbm>> -> memref<128x128xf32, #tpu.memory_space<hbm>>
      %dma_wait3A_42 = arith.constant 0 : i32
      %dma_wait3A_43 = tpu.memref_slice %arg2[%add3A_40, %dma_wait3A_42] : memref<327680x128xf32, #tpu.memory_space<hbm>> -> memref<128x128xf32, #tpu.memory_space<hbm>>
      tpu.wait_dma2 semaphore(%arg11 : memref<!tpu.dma_semaphore, #tpu.memory_space<semaphore_mem>>) src(%dma_wait3A_43 : memref<128x128xf32, #tpu.memory_space<hbm>>) dst(%arg9 : memref<128x128xf32, #tpu.memory_space<vmem>>)
      %dma_start3A_44 = arith.constant 0 : i32
      %dma_start3A_45 = tpu.memref_slice %arg8[%mul3A_35, %dma_start3A_44] : memref<80x128xi32, #tpu.memory_space<vmem>> -> memref<1x128xi32, #tpu.memory_space<vmem>>
      %dma_start3A_46 = tpu.memref_squeeze %dma_start3A_45 : memref<1x128xi32, #tpu.memory_space<vmem>> -> memref<128xi32, #tpu.memory_space<vmem>>
      %dma_start3A_47 = arith.constant 0 : i32
      %dma_start3A_48 = arith.constant 0 : i32
      %dma_start3A_49 = tpu.memref_slice %arg7[%dma_start3A_47, %dma_start3A_48] : memref<10112x128xf32, #tpu.memory_space<vmem_shared>> -> memref<10112x128xf32, #tpu.memory_space<vmem_shared>>
      tpu.enqueue_indirect_dma source(%arg9 : memref<128x128xf32, #tpu.memory_space<vmem>>) target(%dma_start3A_49 : memref<10112x128xf32, #tpu.memory_space<vmem_shared>>) offsets(%dma_start3A_46 : memref<128xi32, #tpu.memory_space<vmem>>) semaphore(%arg13 : memref<!tpu.dma_semaphore, #tpu.memory_space<semaphore_mem>>) {add = true}
      %mul3A_50 = arith.constant 128 : i32
      %mul3A_51 = arith.muli %add3A_37, %mul3A_50 : i32
      %add3A_52 = arith.addi %mul3A_2, %mul3A_51 : i32
      %dma_wait3A_53 = arith.constant 0 : i32
      %dma_wait3A_54 = tpu.memref_slice %arg2[%add3A_52, %dma_wait3A_53] : memref<327680x128xf32, #tpu.memory_space<hbm>> -> memref<128x128xf32, #tpu.memory_space<hbm>>
      %dma_wait3A_55 = arith.constant 0 : i32
      %dma_wait3A_56 = tpu.memref_slice %arg2[%add3A_52, %dma_wait3A_55] : memref<327680x128xf32, #tpu.memory_space<hbm>> -> memref<128x128xf32, #tpu.memory_space<hbm>>
      tpu.wait_dma2 semaphore(%arg12 : memref<!tpu.dma_semaphore, #tpu.memory_space<semaphore_mem>>) src(%dma_wait3A_56 : memref<128x128xf32, #tpu.memory_space<hbm>>) dst(%arg10 : memref<128x128xf32, #tpu.memory_space<vmem>>)
      %dma_start3A_57 = arith.constant 0 : i32
      %dma_start3A_58 = tpu.memref_slice %arg8[%add3A_37, %dma_start3A_57] : memref<80x128xi32, #tpu.memory_space<vmem>> -> memref<1x128xi32, #tpu.memory_space<vmem>>
      %dma_start3A_59 = tpu.memref_squeeze %dma_start3A_58 : memref<1x128xi32, #tpu.memory_space<vmem>> -> memref<128xi32, #tpu.memory_space<vmem>>
      %dma_start3A_60 = arith.constant 0 : i32
      %dma_start3A_61 = arith.constant 0 : i32
      %dma_start3A_62 = tpu.memref_slice %arg7[%dma_start3A_60, %dma_start3A_61] : memref<10112x128xf32, #tpu.memory_space<vmem_shared>> -> memref<10112x128xf32, #tpu.memory_space<vmem_shared>>
      tpu.enqueue_indirect_dma source(%arg10 : memref<128x128xf32, #tpu.memory_space<vmem>>) target(%dma_start3A_62 : memref<10112x128xf32, #tpu.memory_space<vmem_shared>>) offsets(%dma_start3A_59 : memref<128xi32, #tpu.memory_space<vmem>>) semaphore(%arg14 : memref<!tpu.dma_semaphore, #tpu.memory_space<semaphore_mem>>) {add = true}
      %dma_wait3A_63 = arith.constant 0 : i32
      %dma_wait3A_64 = tpu.memref_slice %arg8[%mul3A_35, %dma_wait3A_63] : memref<80x128xi32, #tpu.memory_space<vmem>> -> memref<1x128xi32, #tpu.memory_space<vmem>>
      %dma_wait3A_65 = tpu.memref_squeeze %dma_wait3A_64 : memref<1x128xi32, #tpu.memory_space<vmem>> -> memref<128xi32, #tpu.memory_space<vmem>>
      %dma_wait3A_66 = arith.constant 0 : i32
      %dma_wait3A_67 = arith.constant 0 : i32
      %dma_wait3A_68 = tpu.memref_slice %arg7[%dma_wait3A_66, %dma_wait3A_67] : memref<10112x128xf32, #tpu.memory_space<vmem_shared>> -> memref<10112x128xf32, #tpu.memory_space<vmem_shared>>
      tpu.wait_indirect_dma semaphore(%arg13 : memref<!tpu.dma_semaphore, #tpu.memory_space<semaphore_mem>>) src(%arg9 : memref<128x128xf32, #tpu.memory_space<vmem>>) dst(%dma_wait3A_68 : memref<10112x128xf32, #tpu.memory_space<vmem_shared>>)
      %add3A_69 = arith.constant 2 : i32
      %add3A_70 = arith.addi %mul3A_35, %add3A_69 : i32
      %lt3A = arith.constant 80 : i32
      %lt3A_71 = arith.cmpi slt, %add3A_70, %lt3A : i32
      %convert_element_type3A_72 = arith.extui %lt3A_71 : i1 to i32
      %cond3A_73 = arith.constant 0 : i32
      %cond3A_74 = arith.cmpi ne, %convert_element_type3A_72, %cond3A_73 : i32
      scf.if %cond3A_74 {
        %add3A_88 = arith.constant 2 : i32
        %add3A_89 = arith.addi %mul3A_35, %add3A_88 : i32
        %mul3A_90 = arith.constant 128 : i32
        %mul3A_91 = arith.muli %add3A_89, %mul3A_90 : i32
        %add3A_92 = arith.addi %mul3A_2, %mul3A_91 : i32
        %dma_start3A_93 = arith.constant 0 : i32
        %dma_start3A_94 = tpu.memref_slice %arg2[%add3A_92, %dma_start3A_93] : memref<327680x128xf32, #tpu.memory_space<hbm>> -> memref<128x128xf32, #tpu.memory_space<hbm>>
        %dma_start3A_95 = arith.constant 0 : i32
        %dma_start3A_96 = tpu.memref_slice %arg2[%add3A_92, %dma_start3A_95] : memref<327680x128xf32, #tpu.memory_space<hbm>> -> memref<128x128xf32, #tpu.memory_space<hbm>>
        tpu.enqueue_dma source(%dma_start3A_96 : memref<128x128xf32, #tpu.memory_space<hbm>>) target(%arg9 : memref<128x128xf32, #tpu.memory_space<vmem>>) target_semaphore(%arg11 : memref<!tpu.dma_semaphore, #tpu.memory_space<semaphore_mem>>)
      } else {
      }
      %dma_wait3A_75 = arith.constant 0 : i32
      %dma_wait3A_76 = tpu.memref_slice %arg8[%add3A_37, %dma_wait3A_75] : memref<80x128xi32, #tpu.memory_space<vmem>> -> memref<1x128xi32, #tpu.memory_space<vmem>>
      %dma_wait3A_77 = tpu.memref_squeeze %dma_wait3A_76 : memref<1x128xi32, #tpu.memory_space<vmem>> -> memref<128xi32, #tpu.memory_space<vmem>>
      %dma_wait3A_78 = arith.constant 0 : i32
      %dma_wait3A_79 = arith.constant 0 : i32
      %dma_wait3A_80 = tpu.memref_slice %arg7[%dma_wait3A_78, %dma_wait3A_79] : memref<10112x128xf32, #tpu.memory_space<vmem_shared>> -> memref<10112x128xf32, #tpu.memory_space<vmem_shared>>
      tpu.wait_indirect_dma semaphore(%arg14 : memref<!tpu.dma_semaphore, #tpu.memory_space<semaphore_mem>>) src(%arg10 : memref<128x128xf32, #tpu.memory_space<vmem>>) dst(%dma_wait3A_80 : memref<10112x128xf32, #tpu.memory_space<vmem_shared>>)
      %add3A_81 = arith.constant 2 : i32
      %add3A_82 = arith.addi %add3A_37, %add3A_81 : i32
      %lt3A_83 = arith.constant 80 : i32
      %lt3A_84 = arith.cmpi slt, %add3A_82, %lt3A_83 : i32
      %convert_element_type3A_85 = arith.extui %lt3A_84 : i1 to i32
      %cond3A_86 = arith.constant 0 : i32
      %cond3A_87 = arith.cmpi ne, %convert_element_type3A_85, %cond3A_86 : i32
      scf.if %cond3A_87 {
        %add3A_88 = arith.constant 2 : i32
        %add3A_89 = arith.addi %add3A_37, %add3A_88 : i32
        %mul3A_90 = arith.constant 128 : i32
        %mul3A_91 = arith.muli %add3A_89, %mul3A_90 : i32
        %add3A_92 = arith.addi %mul3A_2, %mul3A_91 : i32
        %dma_start3A_93 = arith.constant 0 : i32
        %dma_start3A_94 = tpu.memref_slice %arg2[%add3A_92, %dma_start3A_93] : memref<327680x128xf32, #tpu.memory_space<hbm>> -> memref<128x128xf32, #tpu.memory_space<hbm>>
        %dma_start3A_95 = arith.constant 0 : i32
        %dma_start3A_96 = tpu.memref_slice %arg2[%add3A_92, %dma_start3A_95] : memref<327680x128xf32, #tpu.memory_space<hbm>> -> memref<128x128xf32, #tpu.memory_space<hbm>>
        tpu.enqueue_dma source(%dma_start3A_96 : memref<128x128xf32, #tpu.memory_space<hbm>>) target(%arg10 : memref<128x128xf32, #tpu.memory_space<vmem>>) target_semaphore(%arg12 : memref<!tpu.dma_semaphore, #tpu.memory_space<semaphore_mem>>)
      } else {
      }
    }
    %scan3A_24 = arith.constant 40 : i32
    %barrier3A_25 = arith.constant 0 : index
    tpu.barrier barrier_id(%barrier3A_25)
    %eq3A = arith.constant 0 : i32
    %eq3A_26 = arith.cmpi eq, %arg0, %eq3A : i32
    %convert_element_type3A = arith.extui %eq3A_26 : i1 to i32
    %cond3A = arith.constant 0 : i32
    %cond3A_27 = arith.cmpi ne, %convert_element_type3A, %cond3A : i32
    scf.if %cond3A_27 {
      %mul3A_33 = arith.constant 632 : i32
      %mul3A_34 = arith.muli %arg1, %mul3A_33 : i32
      %mul3A_35 = arith.constant 632 : i32
      %mul3A_36 = arith.muli %arg1, %mul3A_35 : i32
      "tpu.region"() ({
        %run_scoped3A = tpu.sem_alloc : memref<!tpu.dma_semaphore, #tpu.memory_space<semaphore_mem>>
        %dma_start3A_37 = arith.constant 0 : i32
        %dma_start3A_38 = tpu.memref_slice %arg5[%mul3A_36, %dma_start3A_37] : memref<10112x128xf32, #tpu.memory_space<hbm>> -> memref<632x128xf32, #tpu.memory_space<hbm>>
        %dma_start3A_39 = arith.constant 0 : i32
        %dma_start3A_40 = tpu.memref_slice %arg7[%mul3A_34, %dma_start3A_39] : memref<10112x128xf32, #tpu.memory_space<vmem_shared>> -> memref<632x128xf32, #tpu.memory_space<vmem_shared>>
        tpu.enqueue_dma source(%dma_start3A_40 : memref<632x128xf32, #tpu.memory_space<vmem_shared>>) target(%dma_start3A_38 : memref<632x128xf32, #tpu.memory_space<hbm>>) target_semaphore(%run_scoped3A : memref<!tpu.dma_semaphore, #tpu.memory_space<semaphore_mem>>)
        %dma_wait3A = arith.constant 0 : i32
        %dma_wait3A_41 = tpu.memref_slice %arg5[%mul3A_36, %dma_wait3A] : memref<10112x128xf32, #tpu.memory_space<hbm>> -> memref<632x128xf32, #tpu.memory_space<hbm>>
        %dma_wait3A_42 = arith.constant 0 : i32
        %dma_wait3A_43 = tpu.memref_slice %arg7[%mul3A_34, %dma_wait3A_42] : memref<10112x128xf32, #tpu.memory_space<vmem_shared>> -> memref<632x128xf32, #tpu.memory_space<vmem_shared>>
        tpu.wait_dma2 semaphore(%run_scoped3A : memref<!tpu.dma_semaphore, #tpu.memory_space<semaphore_mem>>) src(%dma_wait3A_43 : memref<632x128xf32, #tpu.memory_space<vmem_shared>>) dst(%dma_wait3A_41 : memref<632x128xf32, #tpu.memory_space<hbm>>)
        tpu.yield
      }) : () -> ()
    } else {
    }
    %eq3A_28 = arith.constant 1 : i32
    %eq3A_29 = arith.cmpi eq, %arg0, %eq3A_28 : i32
    %convert_element_type3A_30 = arith.extui %eq3A_29 : i1 to i32
    %cond3A_31 = arith.constant 0 : i32
    %cond3A_32 = arith.cmpi ne, %convert_element_type3A_30, %cond3A_31 : i32
    scf.if %cond3A_32 {
      %mul3A_33 = arith.constant 632 : i32
      %mul3A_34 = arith.muli %arg1, %mul3A_33 : i32
      %mul3A_35 = arith.constant 632 : i32
      %mul3A_36 = arith.muli %arg1, %mul3A_35 : i32
      "tpu.region"() ({
        %run_scoped3A = tpu.sem_alloc : memref<!tpu.dma_semaphore, #tpu.memory_space<semaphore_mem>>
        %dma_start3A_37 = arith.constant 0 : i32
        %dma_start3A_38 = tpu.memref_slice %arg6[%mul3A_36, %dma_start3A_37] : memref<10112x128xf32, #tpu.memory_space<hbm>> -> memref<632x128xf32, #tpu.memory_space<hbm>>
        %dma_start3A_39 = arith.constant 0 : i32
        %dma_start3A_40 = tpu.memref_slice %arg7[%mul3A_34, %dma_start3A_39] : memref<10112x128xf32, #tpu.memory_space<vmem_shared>> -> memref<632x128xf32, #tpu.memory_space<vmem_shared>>
        tpu.enqueue_dma source(%dma_start3A_40 : memref<632x128xf32, #tpu.memory_space<vmem_shared>>) target(%dma_start3A_38 : memref<632x128xf32, #tpu.memory_space<hbm>>) target_semaphore(%run_scoped3A : memref<!tpu.dma_semaphore, #tpu.memory_space<semaphore_mem>>)
        %dma_wait3A = arith.constant 0 : i32
        %dma_wait3A_41 = tpu.memref_slice %arg6[%mul3A_36, %dma_wait3A] : memref<10112x128xf32, #tpu.memory_space<hbm>> -> memref<632x128xf32, #tpu.memory_space<hbm>>
        %dma_wait3A_42 = arith.constant 0 : i32
        %dma_wait3A_43 = tpu.memref_slice %arg7[%mul3A_34, %dma_wait3A_42] : memref<10112x128xf32, #tpu.memory_space<vmem_shared>> -> memref<632x128xf32, #tpu.memory_space<vmem_shared>>
        tpu.wait_dma2 semaphore(%run_scoped3A : memref<!tpu.dma_semaphore, #tpu.memory_space<semaphore_mem>>) src(%dma_wait3A_43 : memref<632x128xf32, #tpu.memory_space<vmem_shared>>) dst(%dma_wait3A_41 : memref<632x128xf32, #tpu.memory_space<hbm>>)
        tpu.yield
      }) : () -> ()
    } else {
    }
    return
  }
}

module attributes {stable_mosaic.version = 14 : i64} {
  func.func @_edge_proj_body(%arg0: i32, %arg1: memref<2560x128xf32, #tpu.memory_space<vmem>>, %arg2: memref<2560x128xf32, #tpu.memory_space<vmem>>, %arg3: memref<128x128xf32, #tpu.memory_space<vmem>>, %arg4: memref<128x128xf32, #tpu.memory_space<vmem>>, %arg5: memref<128x128xf32, #tpu.memory_space<vmem>>, %arg6: memref<128x128xf32, #tpu.memory_space<vmem>>, %arg7: memref<1x128xf32, #tpu.memory_space<vmem>>, %arg8: memref<1x128xf32, #tpu.memory_space<vmem>>, %arg9: memref<1x1xf32, #tpu.memory_space<vmem>>, %arg10: memref<4x128xf32, #tpu.memory_space<vmem>>, %arg11: memref<8x2560xf32, #tpu.memory_space<vmem>>, %arg12: memref<2560x128xf32, #tpu.memory_space<vmem>>) attributes {dimension_semantics = [#tpu.dimension_semantics<arbitrary>], iteration_bounds = array<i64: 128>, scalar_prefetch = 0 : i64, scratch_operands = 0 : i64, tpu.core_type = #tpu.core_type<tc>, window_params = [{transform_indices = @transform_0, window_bounds = array<i64: 2560, 128>}, {transform_indices = @transform_1, window_bounds = array<i64: 2560, 128>}, {pipeline_mode = #tpu.pipeline_mode<synchronous>, transform_indices = @transform_2, window_bounds = array<i64: 128, 128>}, {pipeline_mode = #tpu.pipeline_mode<synchronous>, transform_indices = @transform_3, window_bounds = array<i64: 128, 128>}, {pipeline_mode = #tpu.pipeline_mode<synchronous>, transform_indices = @transform_4, window_bounds = array<i64: 128, 128>}, {pipeline_mode = #tpu.pipeline_mode<synchronous>, transform_indices = @transform_5, window_bounds = array<i64: 128, 128>}, {pipeline_mode = #tpu.pipeline_mode<synchronous>, transform_indices = @transform_6, window_bounds = array<i64: 1, 128>}, {pipeline_mode = #tpu.pipeline_mode<synchronous>, transform_indices = @transform_7, window_bounds = array<i64: 1, 128>}, {pipeline_mode = #tpu.pipeline_mode<synchronous>, transform_indices = @transform_8, window_bounds = array<i64: 1, 1>}, {pipeline_mode = #tpu.pipeline_mode<synchronous>, transform_indices = @transform_9, window_bounds = array<i64: 4, 128>}, {transform_indices = @transform_10, window_bounds = array<i64: 8, 2560>}, {transform_indices = @transform_11, window_bounds = array<i64: 2560, 128>}]} {
    %get3A = arith.constant 0 : index
    %get3A_0 = arith.constant 0 : index
    %get3A_1 = vector.load %arg1[%get3A, %get3A_0] : memref<2560x128xf32, #tpu.memory_space<vmem>>, vector<2560x128xf32>
    %get3A_2 = arith.constant 0 : index
    %get3A_3 = arith.constant 0 : index
    %get3A_4 = vector.load %arg2[%get3A_2, %get3A_3] : memref<2560x128xf32, #tpu.memory_space<vmem>>, vector<2560x128xf32>
    %get3A_5 = arith.constant 0 : index
    %get3A_6 = arith.constant 0 : index
    %get3A_7 = vector.load %arg3[%get3A_5, %get3A_6] : memref<128x128xf32, #tpu.memory_space<vmem>>, vector<128x128xf32>
    %dot_general3A = arith.constant dense<0.000000e+00> : vector<2560x128xf32>
    %dot_general3A_8 = tpu.matmul %get3A_1, %get3A_7, %dot_general3A {dimension_numbers = #tpu.dot_dimension_numbers<[1], [1], [0], [0], [0, 0, 1, 0], [], []>, transpose_lhs_hint = false} : vector<2560x128xf32>, vector<128x128xf32>, vector<2560x128xf32> -> vector<2560x128xf32>
    %mul3A = arith.mulf %get3A_4, %dot_general3A_8 : vector<2560x128xf32>
    %get3A_9 = arith.constant 0 : index
    %get3A_10 = arith.constant 0 : index
    %get3A_11 = vector.load %arg10[%get3A_9, %get3A_10] : memref<4x128xf32, #tpu.memory_space<vmem>>, vector<4x128xf32>
    %dot_general3A_12 = arith.constant dense<0.000000e+00> : vector<4x2560xf32>
    %dot_general3A_13 = tpu.matmul %get3A_11, %mul3A, %dot_general3A_12 {dimension_numbers = #tpu.dot_dimension_numbers<[1], [1], [0], [0], [0, 0, 1, 0], [], []>, transpose_lhs_hint = false} : vector<4x128xf32>, vector<2560x128xf32>, vector<4x2560xf32> -> vector<4x2560xf32>
    %mul3A_14 = arith.constant 0.176776692 : f32
    %mul3A_15 = vector.broadcast %mul3A_14 : f32 to vector<4x2560xf32>
    %mul3A_16 = arith.mulf %dot_general3A_13, %mul3A_15 : vector<4x2560xf32>
    %min3A = arith.constant 6.000000e+01 : f32
    %min3A_17 = vector.broadcast %min3A : f32 to vector<4x2560xf32>
    %min3A_18 = arith.minimumf %mul3A_16, %min3A_17 : vector<4x2560xf32>
    %exp3A = math.exp %min3A_18 : vector<4x2560xf32>
    %swap3A = arith.constant 0 : index
    %swap3A_19 = arith.constant 0 : index
    %swap3A_20 = vector.load %arg11[%swap3A, %swap3A_19] : memref<8x2560xf32, #tpu.memory_space<vmem>>, vector<4x2560xf32>
    tpu.vector_store %arg11[%swap3A, %swap3A_19], %exp3A {strides = array<i32>} : memref<8x2560xf32, #tpu.memory_space<vmem>>, vector<4x2560xf32>,
    %reduce_sum3A = arith.constant dense<0.000000e+00> : vector<2560xf32>
    %reduce_sum3A_21 = vector.multi_reduction <add>, %exp3A, %reduce_sum3A [0] : vector<4x2560xf32> to vector<2560xf32>
    %broadcast_in_dim3A = vector.shape_cast %reduce_sum3A_21 : vector<2560xf32> to vector<1x2560xf32>
    %swap3A_22 = arith.constant 4 : index
    %swap3A_23 = arith.constant 0 : index
    %swap3A_24 = vector.load %arg11[%swap3A_22, %swap3A_23] : memref<8x2560xf32, #tpu.memory_space<vmem>>, vector<1x2560xf32>
    tpu.vector_store %arg11[%swap3A_22, %swap3A_23], %broadcast_in_dim3A {strides = array<i32>} : memref<8x2560xf32, #tpu.memory_space<vmem>>, vector<1x2560xf32>,
    %get3A_25 = arith.constant 0 : index
    %get3A_26 = arith.constant 0 : index
    %get3A_27 = vector.load %arg5[%get3A_25, %get3A_26] : memref<128x128xf32, #tpu.memory_space<vmem>>, vector<128x128xf32>
    %dot_general3A_28 = arith.constant dense<0.000000e+00> : vector<2560x128xf32>
    %dot_general3A_29 = tpu.matmul %get3A_1, %get3A_27, %dot_general3A_28 {dimension_numbers = #tpu.dot_dimension_numbers<[1], [1], [0], [0], [0, 0, 1, 0], [], []>, transpose_lhs_hint = false} : vector<2560x128xf32>, vector<128x128xf32>, vector<2560x128xf32> -> vector<2560x128xf32>
    %get3A_30 = arith.constant 0 : index
    %get3A_31 = arith.constant 0 : index
    %get3A_32 = vector.load %arg6[%get3A_30, %get3A_31] : memref<128x128xf32, #tpu.memory_space<vmem>>, vector<128x128xf32>
    %dot_general3A_33 = arith.constant dense<0.000000e+00> : vector<2560x128xf32>
    %dot_general3A_34 = tpu.matmul %get3A_4, %get3A_32, %dot_general3A_33 {dimension_numbers = #tpu.dot_dimension_numbers<[1], [1], [0], [0], [0, 0, 1, 0], [], []>, transpose_lhs_hint = false} : vector<2560x128xf32>, vector<128x128xf32>, vector<2560x128xf32> -> vector<2560x128xf32>
    %add3A = arith.addf %dot_general3A_29, %dot_general3A_34 : vector<2560x128xf32>
    %get3A_35 = arith.constant 0 : index
    %get3A_36 = arith.constant 0 : index
    %get3A_37 = vector.load %arg8[%get3A_35, %get3A_36] : memref<1x128xf32, #tpu.memory_space<vmem>>, vector<1x128xf32>
    %add3A_38 = vector.broadcast %get3A_37 : vector<1x128xf32> to vector<2560x128xf32>
    %add3A_39 = arith.addf %add3A, %add3A_38 : vector<2560x128xf32>
    %max3A = arith.constant 0.000000e+00 : f32
    %max3A_40 = vector.broadcast %max3A : f32 to vector<2560x128xf32>
    %max3A_41 = arith.maximumf %add3A_39, %max3A_40 : vector<2560x128xf32>
    %get3A_42 = arith.constant 0 : index
    %get3A_43 = arith.constant 0 : index
    %get3A_44 = vector.load %arg7[%get3A_42, %get3A_43] : memref<1x128xf32, #tpu.memory_space<vmem>>, vector<1x128xf32>
    %dot_general3A_45 = arith.constant dense<0.000000e+00> : vector<1x2560xf32>
    %dot_general3A_46 = tpu.matmul %get3A_44, %max3A_41, %dot_general3A_45 {dimension_numbers = #tpu.dot_dimension_numbers<[1], [1], [0], [0], [0, 0, 1, 0], [], []>, transpose_lhs_hint = false} : vector<1x128xf32>, vector<2560x128xf32>, vector<1x2560xf32> -> vector<1x2560xf32>
    %get3A_47 = arith.constant 0 : index
    %get3A_48 = arith.constant 0 : index
    %get3A_49 = vector.load %arg9[%get3A_47, %get3A_48] : memref<1x1xf32, #tpu.memory_space<vmem>>, vector<1x1xf32>
    %get3A_50 = vector.extract %get3A_49[0, 0] : f32 from vector<1x1xf32>
    %add3A_51 = vector.broadcast %get3A_50 : f32 to vector<1x2560xf32>
    %add3A_52 = arith.addf %dot_general3A_46, %add3A_51 : vector<1x2560xf32>
    %swap3A_53 = arith.constant 5 : index
    %swap3A_54 = arith.constant 0 : index
    %swap3A_55 = vector.load %arg11[%swap3A_53, %swap3A_54] : memref<8x2560xf32, #tpu.memory_space<vmem>>, vector<1x2560xf32>
    tpu.vector_store %arg11[%swap3A_53, %swap3A_54], %add3A_52 {strides = array<i32>} : memref<8x2560xf32, #tpu.memory_space<vmem>>, vector<1x2560xf32>,
    %get3A_56 = arith.constant 0 : index
    %get3A_57 = arith.constant 0 : index
    %get3A_58 = vector.load %arg4[%get3A_56, %get3A_57] : memref<128x128xf32, #tpu.memory_space<vmem>>, vector<128x128xf32>
    %dot_general3A_59 = arith.constant dense<0.000000e+00> : vector<2560x128xf32>
    %dot_general3A_60 = tpu.matmul %get3A_1, %get3A_58, %dot_general3A_59 {dimension_numbers = #tpu.dot_dimension_numbers<[1], [1], [0], [0], [0, 0, 1, 0], [], []>, transpose_lhs_hint = false} : vector<2560x128xf32>, vector<128x128xf32>, vector<2560x128xf32> -> vector<2560x128xf32>
    %get3A_61 = arith.constant 0 : index
    %get3A_62 = arith.constant 0 : index
    %get3A_63 = vector.load %arg10[%get3A_61, %get3A_62] : memref<4x128xf32, #tpu.memory_space<vmem>>, vector<4x128xf32>
    %dot_general3A_64 = arith.constant dense<0.000000e+00> : vector<2560x128xf32>
    %dot_general3A_65 = tpu.matmul %exp3A, %get3A_63, %dot_general3A_64 {dimension_numbers = #tpu.dot_dimension_numbers<[0], [0], [1], [1], [0, 1, 1, 1], [], []>, transpose_lhs_hint = false} : vector<4x2560xf32>, vector<4x128xf32>, vector<2560x128xf32> -> vector<2560x128xf32>
    %mul3A_66 = arith.mulf %dot_general3A_60, %dot_general3A_65 : vector<2560x128xf32>
    %swap3A_67 = arith.constant 0 : index
    %swap3A_68 = arith.constant 0 : index
    %swap3A_69 = vector.load %arg12[%swap3A_67, %swap3A_68] : memref<2560x128xf32, #tpu.memory_space<vmem>>, vector<2560x128xf32>
    tpu.vector_store %arg12[%swap3A_67, %swap3A_68], %mul3A_66 {strides = array<i32>} : memref<2560x128xf32, #tpu.memory_space<vmem>>, vector<2560x128xf32>,
    return
  }
  func.func @transform_0(%arg0: i32) -> (i32, i32) {
    %min3A = arith.constant 124 : i32
    %min3A_0 = arith.minsi %arg0, %min3A : i32
    %c0_i32 = arith.constant 0 : i32
    %c0_i32_1 = arith.constant 0 : i32
    return %min3A_0, %c0_i32 : i32, i32
  }
  func.func @transform_1(%arg0: i32) -> (i32, i32) {
    %min3A = arith.constant 124 : i32
    %min3A_0 = arith.minsi %arg0, %min3A : i32
    %c0_i32 = arith.constant 0 : i32
    %c0_i32_1 = arith.constant 0 : i32
    return %min3A_0, %c0_i32 : i32, i32
  }
  func.func @transform_2(%arg0: i32) -> (i32, i32) {
    %c0_i32 = arith.constant 0 : i32
    %c0_i32_0 = arith.constant 0 : i32
    %c0_i32_1 = arith.constant 0 : i32
    return %c0_i32, %c0_i32_0 : i32, i32
  }
  func.func @transform_3(%arg0: i32) -> (i32, i32) {
    %c0_i32 = arith.constant 0 : i32
    %c0_i32_0 = arith.constant 0 : i32
    %c0_i32_1 = arith.constant 0 : i32
    return %c0_i32, %c0_i32_0 : i32, i32
  }
  func.func @transform_4(%arg0: i32) -> (i32, i32) {
    %c0_i32 = arith.constant 0 : i32
    %c0_i32_0 = arith.constant 0 : i32
    %c0_i32_1 = arith.constant 0 : i32
    return %c0_i32, %c0_i32_0 : i32, i32
  }
  func.func @transform_5(%arg0: i32) -> (i32, i32) {
    %c0_i32 = arith.constant 0 : i32
    %c0_i32_0 = arith.constant 0 : i32
    %c0_i32_1 = arith.constant 0 : i32
    return %c0_i32, %c0_i32_0 : i32, i32
  }
  func.func @transform_6(%arg0: i32) -> (i32, i32) {
    %c0_i32 = arith.constant 0 : i32
    %c0_i32_0 = arith.constant 0 : i32
    %c0_i32_1 = arith.constant 0 : i32
    return %c0_i32, %c0_i32_0 : i32, i32
  }
  func.func @transform_7(%arg0: i32) -> (i32, i32) {
    %c0_i32 = arith.constant 0 : i32
    %c0_i32_0 = arith.constant 0 : i32
    %c0_i32_1 = arith.constant 0 : i32
    return %c0_i32, %c0_i32_0 : i32, i32
  }
  func.func @transform_8(%arg0: i32) -> (i32, i32) {
    %c0_i32 = arith.constant 0 : i32
    %c0_i32_0 = arith.constant 0 : i32
    %c0_i32_1 = arith.constant 0 : i32
    return %c0_i32, %c0_i32_0 : i32, i32
  }
  func.func @transform_9(%arg0: i32) -> (i32, i32) {
    %c0_i32 = arith.constant 0 : i32
    %c0_i32_0 = arith.constant 0 : i32
    %c0_i32_1 = arith.constant 0 : i32
    return %c0_i32, %c0_i32_0 : i32, i32
  }
  func.func @transform_10(%arg0: i32) -> (i32, i32) {
    %c0_i32 = arith.constant 0 : i32
    %c0_i32_0 = arith.constant 0 : i32
    return %c0_i32, %arg0 : i32, i32
  }
  func.func @transform_11(%arg0: i32) -> (i32, i32) {
    %c0_i32 = arith.constant 0 : i32
    %c0_i32_0 = arith.constant 0 : i32
    return %arg0, %c0_i32 : i32, i32
  }
}

module attributes {stable_mosaic.version = 14 : i64} {
  func.func @_combine_body(%arg0: i32, %arg1: memref<10000x128xf32, #tpu.memory_space<vmem>>, %arg2: memref<10000x128xf32, #tpu.memory_space<vmem>>, %arg3: memref<10000x1xf32, #tpu.memory_space<vmem>>, %arg4: memref<10000x128xf32, #tpu.memory_space<vmem>>) attributes {dimension_semantics = [#tpu.dimension_semantics<arbitrary>], iteration_bounds = array<i64: 1>, scalar_prefetch = 0 : i64, scratch_operands = 0 : i64, tpu.core_type = #tpu.core_type<tc>, window_params = [{transform_indices = @transform_0, window_bounds = array<i64: 10000, 128>}, {transform_indices = @transform_1, window_bounds = array<i64: 10000, 128>}, {transform_indices = @transform_2, window_bounds = array<i64: 10000, 1>}, {transform_indices = @transform_3, window_bounds = array<i64: 10000, 128>}]} {
    %get3A = arith.constant 0 : index
    %get3A_0 = arith.constant 0 : index
    %get3A_1 = vector.load %arg3[%get3A, %get3A_0] : memref<10000x1xf32, #tpu.memory_space<vmem>>, vector<10000x1xf32>
    %gt3A = arith.constant 0.000000e+00 : f32
    %gt3A_2 = vector.broadcast %gt3A : f32 to vector<10000x1xf32>
    %gt3A_3 = arith.cmpf ogt, %get3A_1, %gt3A_2 : vector<10000x1xf32>
    %div3A = arith.constant 1.000000e+00 : f32
    %div3A_4 = vector.broadcast %div3A : f32 to vector<10000x1xf32>
    %div3A_5 = arith.divf %div3A_4, %get3A_1 : vector<10000x1xf32>
    %jit3A = arith.constant 0.000000e+00 : f32
    %broadcast_in_dim3A = vector.broadcast %jit3A : f32 to vector<10000x1xf32>
    %select_n3A = arith.select %gt3A_3, %div3A_5, %broadcast_in_dim3A : vector<10000x1xi1>, vector<10000x1xf32>
    %get3A_6 = arith.constant 0 : index
    %get3A_7 = arith.constant 0 : index
    %get3A_8 = vector.load %arg1[%get3A_6, %get3A_7] : memref<10000x128xf32, #tpu.memory_space<vmem>>, vector<10000x128xf32>
    %get3A_9 = arith.constant 0 : index
    %get3A_10 = arith.constant 0 : index
    %get3A_11 = vector.load %arg2[%get3A_9, %get3A_10] : memref<10000x128xf32, #tpu.memory_space<vmem>>, vector<10000x128xf32>
    %add3A = arith.addf %get3A_8, %get3A_11 : vector<10000x128xf32>
    %mul3A = vector.broadcast %select_n3A : vector<10000x1xf32> to vector<10000x128xf32>
    %mul3A_12 = arith.mulf %add3A, %mul3A : vector<10000x128xf32>
    %swap3A = arith.constant 0 : index
    %swap3A_13 = arith.constant 0 : index
    %swap3A_14 = vector.load %arg4[%swap3A, %swap3A_13] : memref<10000x128xf32, #tpu.memory_space<vmem>>, vector<10000x128xf32>
    tpu.vector_store %arg4[%swap3A, %swap3A_13], %mul3A_12 {strides = array<i32>} : memref<10000x128xf32, #tpu.memory_space<vmem>>, vector<10000x128xf32>,
    return
  }
  func.func @transform_0(%arg0: i32) -> (i32, i32) {
    %c0_i32 = arith.constant 0 : i32
    %c0_i32_0 = arith.constant 0 : i32
    return %arg0, %c0_i32 : i32, i32
  }
  func.func @transform_1(%arg0: i32) -> (i32, i32) {
    %c0_i32 = arith.constant 0 : i32
    %c0_i32_0 = arith.constant 0 : i32
    return %arg0, %c0_i32 : i32, i32
  }
  func.func @transform_2(%arg0: i32) -> (i32, i32) {
    %c0_i32 = arith.constant 0 : i32
    %c0_i32_0 = arith.constant 0 : i32
    return %arg0, %c0_i32 : i32, i32
  }
  func.func @transform_3(%arg0: i32) -> (i32, i32) {
    %c0_i32 = arith.constant 0 : i32
    %c0_i32_0 = arith.constant 0 : i32
    return %arg0, %c0_i32 : i32, i32
  }
}

module attributes {stable_mosaic.version = 14 : i64} {
  func.func @_attn_body(%arg0: i32, %arg1: memref<8x12800xf32, #tpu.memory_space<vmem>>, %arg2: memref<1x12800xf32, #tpu.memory_space<vmem>>, %arg3: memref<4x12800xf32, #tpu.memory_space<vmem>>) attributes {dimension_semantics = [#tpu.dimension_semantics<arbitrary>], iteration_bounds = array<i64: 25>, scalar_prefetch = 0 : i64, scratch_operands = 0 : i64, tpu.core_type = #tpu.core_type<tc>, window_params = [{transform_indices = @transform_0, window_bounds = array<i64: 8, 12800>}, {transform_indices = @transform_1, window_bounds = array<i64: 1, 12800>}, {transform_indices = @transform_2, window_bounds = array<i64: 4, 12800>}]} {
    %get3A = arith.constant 0 : index
    %get3A_0 = arith.constant 0 : index
    %get3A_1 = vector.load %arg1[%get3A, %get3A_0] : memref<8x12800xf32, #tpu.memory_space<vmem>>, vector<4x12800xf32>
    %get3A_2 = arith.constant 0 : index
    %get3A_3 = arith.constant 0 : index
    %get3A_4 = vector.load %arg2[%get3A_2, %get3A_3] : memref<1x12800xf32, #tpu.memory_space<vmem>>, vector<1x12800xf32>
    %div3A = vector.broadcast %get3A_4 : vector<1x12800xf32> to vector<4x12800xf32>
    %div3A_5 = arith.divf %get3A_1, %div3A : vector<4x12800xf32>
    %swap3A = arith.constant 0 : index
    %swap3A_6 = arith.constant 0 : index
    %swap3A_7 = vector.load %arg3[%swap3A, %swap3A_6] : memref<4x12800xf32, #tpu.memory_space<vmem>>, vector<4x12800xf32>
    tpu.vector_store %arg3[%swap3A, %swap3A_6], %div3A_5 {strides = array<i32>} : memref<4x12800xf32, #tpu.memory_space<vmem>>, vector<4x12800xf32>,
    return
  }
  func.func @transform_0(%arg0: i32) -> (i32, i32) {
    %c0_i32 = arith.constant 0 : i32
    %c0_i32_0 = arith.constant 0 : i32
    return %c0_i32, %arg0 : i32, i32
  }
  func.func @transform_1(%arg0: i32) -> (i32, i32) {
    %c0_i32 = arith.constant 0 : i32
    %c0_i32_0 = arith.constant 0 : i32
    return %c0_i32, %arg0 : i32, i32
  }
  func.func @transform_2(%arg0: i32) -> (i32, i32) {
    %c0_i32 = arith.constant 0 : i32
    %c0_i32_0 = arith.constant 0 : i32
    return %c0_i32, %arg0 : i32, i32
  }
}

</mosaic_0001>

<sc_bundles>
// kernel: kernel.11.cloned.1.call-start
scs
__scs_entry_jumppad:
0x0: {  	(pc) =	sbr.rel $0x88, $3  }
0x1: {  	(tag) =	ssettag $0x0;
	lr =	simm.s32 $0x1  }
0x2: {  	[smem:$0x3F98] =	sst lr;
	_ =	strace $0xD0000000  }
0x3: {  	_ = 	snop  }
0x4: {  	_ = 	snop  }
0x5: {  	_ = 	snop  }
0x6: {  	_ = 	snop  }
0x7: {  	_ = 	snop  }
__scs_overlays_trampoline_lowered:
0x8: {  	[smem:$0x3FA7] =	sst s0  }
0x9: {  	[smem:$0x3FA8] =	sst s1  }
0xa: {  	[smem:$0x3FA9] =	sst s2  }
0xb: {  	[smem:$0x3FAA] =	sst s3  }
0xc: {  	[smem:$0x3FAB] =	sst s4  }
0xd: {  	[smem:$0x3FAC] =	sst s5  }
0xe: {  	[smem:$0x3FAD] =	sst s6  }
0xf: {  	[smem:$0x3FAE] =	sst s7  }
0x10: {  	[smem:$0x3FAF] =	sst s8  }
0x11: {  	[smem:$0x3FB0] =	sst s9;
	s0 =	simm.s32 @!p0 $0x0  }
0x12: {  	s1 =	sld [smem:$0x3F96];
	s0 =	simm.s32 @p0 $0x1  }
0x13: {  	[smem:$0x3FB1] =	sst s0;
	s0 =	simm.s32 @!p1 $0x0  }
0x14: {  	s2 =	sld [smem:$0x3F95];
	s0 =	simm.s32 @p1 $0x1  }
0x15: {  	[smem:$0x3FB2] =	sst s0;
	s0 =	simm.s32 @!p2 $0x0  }
0x16: {  	s3 =	sld [smem:$0x3FDB];
	s0 =	simm.s32 @p2 $0x1  }
0x17: {  	s4 =	simm.s32 $0x1BF5;
	[smem:$0x3FB4] =	sst s0  }
0x18: {  	s0 =	sld [smem:$0x3F97];
	_ =	swait.ge [sflag:s4], $0x0  }
0x19: {  	s7 =	sld [smem:$0x3F98]  }
0x1a: {  	s8 =	sadd.s32 $0xFFFFE003, lr  }
0x1b: {  	s9 =	sadd.s32 $0xFFFFFEF7, lr;
	s5 =	simm.s32 $0xFFFFFFFF;
	p2 =	slt.u32 s8, $0xFFFFF086  }
0x1c: {  	p1 =	slt.u32 s9, $0xF7A;
	s5 =	simm.s32 @!p2 $0x0  }
0x1d: {  	s5 =	simm.s32 @p1 $0x1;
	p0 =	seq.s32 s7, s2  }
0x1e: {  	s7 =	smul.u32 @!p0 $0xF7A, s2;
	p2 =	seq.s32 @!p0 s5, $0x0  }
0x1f: {  	s9 =	smul.u32 $0xF7A, s1;
	s8 =	simm.s32 @!p0 $0x1BF5;
	p2 =	por !p2, p0  }
0x20: {  	[sflag:s8] =	ssyncset.s32 @!p0 $0xFFFFF086;
	s6 =	sadd.s32 @!p0 s3, s7;
	s7 =	simm.s32 @!p0 $0x108  }
0x21: {  	s3 =	sadd.s32 s3, s9;
	s6 =	sadd.s32 @!p0 $0x88, s6;
	s7 =	simm.s32 @p2 $0x1082  }
0x22: {  	[simem:s7], [sflag:s8] =	dma.local @!p0 [hbm:s6], $0xF7A  }
0x23: {  	s9 =	sor.u32 $0xD0000000, s2;
	s6 =	simm.s32 $0x108;
	_ =	swait.ge @!p0 [sflag:s8], $0x0  }
0x24: {  	s3 =	sadd.s32 $0x88, s3;
	s6 =	simm.s32 @!p1 $0x1082;
	[sflag:s4] =	ssyncset.s32 $0xFFFFF086  }
0x25: {  	[simem:s6], [sflag:s4] =	dma.local [hbm:s3], $0xF7A  }
0x26: {  	[smem:$0x3F98] =	sst s1;
	(tag) =	ssettag s2;
	_ =	strace s9  }
0x27: {  	s1 =	sld [smem:$0x3FA8]  }
0x28: {  	s2 =	sld [smem:$0x3FA9]  }
0x29: {  	s4 =	sld [smem:$0x3FAB]  }
0x2a: {  	p0 =	seq.s32 s5, $0x0;
	s5 =	sld [smem:$0x3FAC]  }
0x2b: {  	s6 =	sld [smem:$0x3FAD]  }
0x2c: {  	s7 =	sld [smem:$0x3FAE]  }
0x2d: {  	s3 =	simm.s32 $0x108;
	s8 =	sld [smem:$0x3FAF]  }
0x2e: {  	s3 =	simm.s32 @!p0 $0x1082;
	s9 =	sld [smem:$0x3FB0]  }
0x2f: {  	lr =	sadd.s32 s0, s3;
	s0 =	sld [smem:$0x3FA7]  }
0x30: {  	s3 =	sld [smem:$0x3FAA]  }
0x31: {  	[smem:$0x3FB3] =	sst s10  }
0x32: {  	s10 =	sld [smem:$0x3FB1];
	_ =	sdelay $0x3  }
0x33: {  	p0 =	seq.s32 s10, $0x1;
	s10 =	sld [smem:$0x3FB3];
	_ =	sdelay $0x3  }
0x34: {  	[smem:$0x3FB3] =	sst s10  }
0x35: {  	s10 =	sld [smem:$0x3FB2];
	_ =	sdelay $0x3  }
0x36: {  	p1 =	seq.s32 s10, $0x1;
	s10 =	sld [smem:$0x3FB3];
	_ =	sdelay $0x3  }
0x37: {  	[smem:$0x3FB3] =	sst s10  }
0x38: {  	s10 =	sld [smem:$0x3FB4]  }
0x39: {  	_ = 	snop;
	(pc) =	sbr.ind lr, $3  }
0x3a: {  	_ = 	snop  }
0x3b: {  	_ = 	snop  }
0x3c: {  	p2 =	seq.s32 s10, $0x1;
	s10 =	sld [smem:$0x3FB3]  }
0x3d: {  	_ =	shalt  }
0x3e: {  	_ =	shalt  }
0x3f: {  	_ =	shalt  }
0x40: {  	_ =	shalt  }
0x41: {  	_ =	shalt  }
0x42: {  	_ =	shalt  }
0x43: {  	_ =	shalt  }
0x44: {  	_ =	shalt  }
0x45: {  	_ =	shalt  }
0x46: {  	_ =	shalt  }
0x47: {  	_ =	shalt  }
0x48: {  	_ =	shalt  }
0x49: {  	_ =	shalt  }
0x4a: {  	_ =	shalt  }
0x4b: {  	_ =	shalt  }
0x4c: {  	_ =	shalt  }
0x4d: {  	_ =	shalt  }
0x4e: {  	_ =	shalt  }
0x4f: {  	_ =	shalt  }
0x50: {  	_ =	shalt  }
0x51: {  	_ =	shalt  }
0x52: {  	_ =	shalt  }
0x53: {  	_ =	shalt  }
0x54: {  	_ =	shalt  }
0x55: {  	_ =	shalt  }
0x56: {  	_ =	shalt  }
0x57: {  	_ =	shalt  }
0x58: {  	_ =	shalt  }
0x59: {  	_ =	shalt  }
0x5a: {  	_ =	shalt  }
0x5b: {  	_ =	shalt  }
0x5c: {  	_ =	shalt  }
0x5d: {  	_ =	shalt  }
0x5e: {  	_ =	shalt  }
0x5f: {  	_ =	shalt  }
0x60: {  	_ =	shalt  }
0x61: {  	_ =	shalt  }
0x62: {  	_ =	shalt  }
0x63: {  	_ =	shalt  }
0x64: {  	_ =	shalt  }
0x65: {  	_ =	shalt  }
0x66: {  	_ =	shalt  }
0x67: {  	_ =	shalt  }
0x68: {  	_ =	shalt  }
0x69: {  	_ =	shalt  }
0x6a: {  	_ =	shalt  }
0x6b: {  	_ =	shalt  }
0x6c: {  	_ =	shalt  }
0x6d: {  	_ =	shalt  }
0x6e: {  	_ =	shalt  }
0x6f: {  	_ =	shalt  }
0x70: {  	_ =	shalt  }
0x71: {  	_ =	shalt  }
0x72: {  	_ =	shalt  }
0x73: {  	_ =	shalt  }
0x74: {  	_ =	shalt  }
0x75: {  	_ =	shalt  }
0x76: {  	_ =	shalt  }
0x77: {  	_ =	shalt  }
0x78: {  	_ =	shalt  }
0x79: {  	_ =	shalt  }
0x7a: {  	_ =	shalt  }
0x7b: {  	_ =	shalt  }
0x7c: {  	_ =	shalt  }
0x7d: {  	_ =	shalt  }
0x7e: {  	_ =	shalt  }
0x7f: {  	_ =	shalt  }
0x80: {  	_ =	shalt  }
0x81: {  	_ =	shalt  }
0x82: {  	_ =	shalt  }
0x83: {  	_ =	shalt  }
0x84: {  	_ =	shalt  }
0x85: {  	_ =	shalt  }
0x86: {  	_ =	shalt  }
0x87: {  	_ =	shalt  }
.Lfunc_end0:
.L_simem_size_0:
called_computation.1_lowered:
.L_overlay_start_0:
0x88: {  	s2 =	sld [smem:$0x3FD9]  }
0x89: {  	s3 =	sld [smem:$0x3FFE];
	_ =	sdelay $0x1  }
0x8a: {  	s1 =	srdreg.scid  }
0x8b: {  	s0 =	sand.u32 $0x1, s1  }
0x8c: {  	s15 =	sshll.u32 s0, $0xA;
	s2 =	sadd.s32 s3, s2  }
0x8d: {  	s2 =	sadd.s32 s2, s15  }
0x8e: {  	[smem:$0x3FBF] =	sst s2  }
0x8f: {  	_ = 	snop  }
0x90: {  	s2 =	sld [smem:$0x3FD0];
	_ =	sdelay $0x2  }
0x91: {  	s16 =	simm.s32 $0xB;
	s4 =	simm.s32 $0x10  }
0x92: {  	[smem:s4], [sflag:s16] =	dma.local [hbm:s2], $0x1  }
0x93: {  	_ =	swait.eq [sflag:s16], $0x1  }
0x94: {  	[sflag:s16] =	ssyncset.done $0x0  }
0x95: {  	[sflag:s16] =	ssyncadd.s32 $0xFFFFFFFF  }
0x96: {  	s17 =	sld [smem:$0x11];
	(tm) =	ssettm $0x1  }
0x97: {  	s18 =	sld [smem:$0x3FFB];
	_ =	sdelay $0x3  }
0x98: {  	_ =	strace s18  }
0x99: {  	s2 =	sld [smem:$0x3FFC];
	_ =	sdelay $0x3  }
0x9a: {  	_ =	strace s2  }
0x9b: {  	s2 =	sld [smem:$0x3FFD];
	_ =	sdelay $0x3  }
0x9c: {  	_ =	strace s2  }
0x9d: {  	_ =	strace $0x8FFFFFFF  }
0x9e: {  	s19 =	sld [smem:$0x3FDB];
	_ =	sdelay $0x1  }
0x9f: {  	s20 =	simm.s32 $_scs_section_size  }
0xa0: {  	s5 =	simm.s32 $_size__tile_overlayer_lowered;
	s6 =	simm.s32 $_tile_overlayer_lowered  }
0xa1: {  	s7 =	simm.s32 $0x1BFF;
	s21 =	sshll.u32 s6, $0x1;
	s4 =	sadd.s32 s20, s19  }
0xa2: {  	s22 =	simm.s32 $0x0;
	s5 =	sshll.u32 s5, $0x1;
	s6 =	sadd.s32 s21, s4  }
0xa3: {  	[timem:s22], [sflag:s7] =	dma.local [hbm:s6], s5  }
0xa4: {  	_ =	swait.ge [sflag:s7], s5  }
0xa5: {  	s5 =	ssub.s32 $0x0, s5;
	[sflag:s7] =	ssyncset.done $0x0  }
0xa6: {  	[sflag:s7] =	ssyncadd.s32 s5;
	_ =	sdelay $0x1  }
0xa7: {  	s23 =	simm.s32 $0x1B8B  }
0xa8: {  	_ =	swait.ge [sflag:s23], $0x1  }
0xa9: {  	[sflag:s23] =	ssyncset.done $0x0  }
0xaa: {  	[sflag:s23] =	ssyncadd.s32 $0xFFFFFFFF  }
0xab: {  	s5 =	sld [smem:$0x0]  }
0xac: {  	s6 =	sand.u32 $0xFFFFFFFE, s1  }
0xad: {  	p0 =	sne.s32 s1, s6  }
0xae: {  	s6 =	sshll.u32 @p0 s6, $0xE  }
0xaf: {  	s6 =	sadd.s32 @p0 $0x11B8D, s6;
	s7 =	sshll.u32 @p0 s5, $0x11  }
0xb0: {  	s6 =	sor.u32 @p0 s7, s6  }
0xb1: {  	[sflag:s6] =	ssyncadd.remote.s32 @p0 $0x1;
	_ =	sdelay $0x1  }
0xb2: {  	s6 =	simm.s32 @p0 $0x1B8D  }
0xb3: {  	_ =	swait.eq @p0 [sflag:s6], $0x1  }
0xb4: {  	[sflag:s6] =	ssyncadd.s32 @p0 $0xFFFFFFFF  }
0xb5: {  	s7 =	sshll.u32 @!p0 s1, $0xE  }
0xb6: {  	s7 =	sor.u32 @!p0 $0x4000, s7;
	s6 =	simm.s32 @!p0 $0x1B8D  }
0xb7: {  	s5 =	sshll.u32 @!p0 s5, $0x11;
	s7 =	sadd.s32 @!p0 $0x11B8D, s7;
	_ =	swait.eq @!p0 [sflag:s6], $0x1  }
0xb8: {  	s5 =	sor.u32 @!p0 s5, s7;
	[sflag:s6] =	ssyncadd.s32 @!p0 $0xFFFFFFFF  }
0xb9: {  	s25 =	simm.s32 $0x1B8E;
	s24 =	sld [smem:$0x3FFE];
	[sflag:s5] =	ssyncadd.remote.s32 @!p0 $0x1  }
0xba: {  	s26 =	simm.s32 $execute0_lowered;
	[smem:$0x3FD2] =	sst s25  }
0xbb: {  	s6 =	sshll.u32 s26, $0x1;
	_ =	strace $0x8000004C;
	[dreg:$0x1] =	wrdreg $0xFFFFFFFF  }
0xbc: {  	s28 =	simm.s32 $_size_execute0_lowered;
	s4 =	sadd.s32 s4, s6;
	[dreg:$0x0] =	wrdreg $0x0  }
0xbd: {  	s6 =	sshll.u32 s28, $0x1;
	[dreg:$0x2] =	wrdreg s4  }
0xbe: {  	[dreg:$0x3] =	wrdreg s6  }
0xbf: {  	[dreg:$0x4] =	wrdreg $0xC0  }
0xc0: {  	_ =	task [dreg:s22], $0x5FFFF  }
0xc1: {  	[dreg:$0x1] =	wrdreg $0xFFFFFFFF  }
0xc2: {  	[dreg:$0x0] =	wrdreg $0x60  }
0xc3: {  	[dreg:$0x2] =	wrdreg s17  }
0xc4: {  	[dreg:$0x3] =	wrdreg s24  }
0xc5: {  	[dreg:$0x4] =	wrdreg $0x0  }
0xc6: {  	[dreg:$0x5] =	wrdreg $0xA  }
0xc7: {  	_ =	task.clear_ibuf [dreg:s22], $0x6FFFF;
	_ =	strace $0x9000004C  }
0xc8: {  	s29 =	simm.s32 $0xA;
	_ =	strace $0x8000004E  }
0xc9: {  	_ =	swait.ge [sflag:s29], $0x1  }
0xca: {  	[sflag:s29] =	ssyncadd.s32 $0xFFFFFFFF  }
0xcb: {  	_ =	strace $0x9000004E  }
0xcc: {  	_ =	sfence  }
0xcd: {  	s30 =	sld [smem:$0x0];
	_ =	sdelay $0x2  }
0xce: {  	s31 =	sshll.u32 s1, $0xD;
	s1 =	sshrl.u32 s1, $0x2  }
0xcf: {  	s4 =	sand.u32 $0x4000, s31;
	s1 =	sadd.s32 s1, s30  }
0xd0: {  	s0 =	sor.u32 s4, s0;
	s1 =	sshll.u32 s1, $0x11  }
0xd1: {  	s0 =	sor.u32 s1, s0  }
0xd2: {  	s0 =	sadd.s32 $0x8F2B, s0  }
0xd3: {  	[sflag:s0] =	ssyncadd.remote.s32 $0x1  }
0xd4: {  	_ =	sfence.sel $0xFFFF  }
0xd5: {  	[dreg:$0x0] =	wrdreg $0xFFFFFFFF;
	(pc) =	sbr.abs _section_cstart, $3  }
0xd6: {  	[dreg:$0x1] =	wrdreg $0xFFFFFFFF  }
0xd7: {  	_ =	task.clear_ibuf [dreg:s22], $0x2FFFF;
	_ =	strace $0x9FFFFFFF  }
0xd8: {  	(tm) =	ssettm $0x7FFFFFFF  }
0xd9: {  	_ =	shalt  }
tec
execute0_lowered:
.L_overlay_start_1:
0x0: {  	(tag) =	ssettag $0x1  }
0x1: {  	s4 =	rddreg [dreg:$0x0]  }
0x2: {  	s0 =	srdreg.scid;
	s5 =	rddreg [dreg:$0x1]  }
0x3: {  	s1 =	rddreg [dreg:$0x2];
	s6 =	stileid.u32  }
0x4: {  	s2 =	simm.s32 $0x0;
	s10 =	simm.s32 $0x80;
	s11 =	simm.s32 $0x1  }
0x5: {  	s12 =	simm.s32 $0x2A78;
	s3 =	sand.u32 $0x1, s0;
	s0 =	rddreg [dreg:$0x3]  }
0x6: {  	s13 =	simm.s32 $0x0;
	[smem:$0x7FF] =	sst s2;
	s7 =	sshll.u32 s3, $0x4  }
0x7: {  	p0 =	sne.s32 s6, $0x0;
	s8 =	ssub.s32 $0x2, s3;
	s7 =	sor.u32 s6, s7  }
0x8: {  	_ =	strace $0x8000004D;
	s9 =	sshrl.u32 s8, $0x1;
	s7 =	smul.u32 $0x500, s7  }
0x9: {  	s3 =	sadd.s32 $0x53400, s5;
	s8 =	ssub.s32 s8, s9;
	s9 =	simm.s32 $0x2  }
0xa: {  	s6 =	smax.u32 s8, $0x1;
	s8 =	simm.s32 $0x278;
	s5 =	sadd.s32 s7, s5  }
0xb: {  	s4 =	sadd.s32 s4, s7;
	s7 =	sshrl.u32 @!p0 s1, $0x3;
	s5 =	sadd.s32 $0xCA200, s5  }
.LBB2_1:
0xc: {  	s14 =	simm.s32 @!p0 $0x1C02  }
0xd: {  	[spmem:s7], [sflag:s14] =	dma.local @!p0 [hbm:s3], $0x4F0  }
0xe: {  	s14 =	simm.s32 @!p0 $0x2  }
0xf: {  	_ =	swait.ge @!p0 [sflag:s14], $0x4F0  }
0x10: {  	[sflag:s14] =	ssyncset.done @!p0 $0x0  }
0x11: {  	[sflag:s14] =	ssyncadd.s32 @!p0 $0xFFFFFB10  }
0x12: {  	[tilespmem:s8], [sflag:$0x2] =	stream.linear.gather [hbm4b:s4+s2], $0x2800, $0x38;
	[tilespmem:$0x5278] =	vst v63  }
0x13: {  	_ =	swait.ge [sflag:s9], $0x2800  }
0x14: {  	[sflag:s9] =	ssyncset.done $0x0  }
0x15: {  	[sflag:s9] =	ssyncadd.s32 $0xFFFFD800  }
0x16: {  	s22 =	simm.s32 $0x2A78;
	s15 =	simm.s32 $0x278;
	[bflag:$0x0] =	sbarrier.arrive $0xFFFF  }
0x17: {  	[tilespmem:s22], [sflag:$0x1] =	stream.indirect.gather [spmem:s1], $0x1, s15, s10, $0xb8;
	[tilespmem:$0x5278] =	vst v63  }
0x18: {  	s23 =	simm.s32 $0x2AF8;
	s24 =	simm.s32 $0x2F8  }
0x19: {  	[tilespmem:s23], [sflag:$0x1] =	stream.indirect.gather [spmem:s1], $0x1, s24, s10, $0xb8;
	[tilespmem:$0x5278] =	vst v63  }
0x1a: {  	s25 =	simm.s32 $0x2B78;
	s26 =	simm.s32 $0x378  }
0x1b: {  	[tilespmem:s25], [sflag:$0x1] =	stream.indirect.gather [spmem:s1], $0x1, s26, s10, $0xb8;
	[tilespmem:$0x5278] =	vst v63  }
0x1c: {  	s28 =	simm.s32 $0x2BF8;
	s29 =	simm.s32 $0x3F8  }
0x1d: {  	[tilespmem:s28], [sflag:$0x1] =	stream.indirect.gather [spmem:s1], $0x1, s29, s10, $0xb8;
	[tilespmem:$0x5278] =	vst v63  }
0x1e: {  	s30 =	simm.s32 $0x2C78;
	s31 =	simm.s32 $0x478  }
0x1f: {  	[tilespmem:s30], [sflag:$0x1] =	stream.indirect.gather [spmem:s1], $0x1, s31, s10, $0xb8;
	[tilespmem:$0x5278] =	vst v63  }
0x20: {  	_ =	swait.ge [sflag:s11], $0x80  }
0x21: {  	[sflag:s11] =	ssyncset.done $0x0  }
0x22: {  	[sflag:s11] =	ssyncadd.s32 $0xFFFFFF80  }
0x23: {  	_ =	swait.ge [sflag:s11], $0x80  }
0x24: {  	[sflag:s11] =	ssyncset.done $0x0  }
0x25: {  	[sflag:s11] =	ssyncadd.s32 $0xFFFFFF80  }
0x26: {  	_ =	swait.ge [sflag:s11], $0x80  }
0x27: {  	[sflag:s11] =	ssyncset.done $0x0  }
0x28: {  	[sflag:s11] =	ssyncadd.s32 $0xFFFFFF80  }
0x29: {  	_ =	swait.ge [sflag:s11], $0x80  }
0x2a: {  	[sflag:s11] =	ssyncset.done $0x0  }
0x2b: {  	[sflag:s11] =	ssyncadd.s32 $0xFFFFFF80  }
0x2c: {  	_ =	swait.ge [sflag:s11], $0x80  }
0x2d: {  	s14 =	simm.s32 $0x280;
	s15 =	simm.s32 $0x1400;
	[sflag:s11] =	ssyncset.done $0x0  }
.LBB2_2:
0x2e: {  	s16 =	sadd.s32 $0x2A78, s14  }
0x2f: {  	s17 =	sadd.s32 $0x278, s14;
	[sflag:s11] =	ssyncadd.s32 $0xFFFFFF80;
	s18 =	smov.u32 s15  }
0x30: {  	[tilespmem:s16], [sflag:$0x1] =	stream.indirect.gather [spmem:s1], $0x1, s17, s10, $0xb8;
	[tilespmem:$0x5278] =	vst v63  }
0x31: {  	s19 =	sadd.s32 $0x2F8, s14;
	s16 =	sadd.s32 $0xA00, s15;
	s17 =	sadd.s32 $0x2AF8, s14  }
0x32: {  	[tilespmem:s17], [sflag:$0x1] =	stream.indirect.gather [spmem:s1], $0x1, s19, s10, $0xb8;
	[tilespmem:$0x5278] =	vst v63  }
0x33: {  	p1 =	sne.s32 s15, $0x9600;
	s15 =	sadd.s32 $0x2B78, s14;
	s17 =	sadd.s32 $0x378, s14  }
0x34: {  	[tilespmem:s15], [sflag:$0x1] =	stream.indirect.gather [spmem:s1], $0x1, s17, s10, $0xb8;
	[tilespmem:$0x5278] =	vst v63  }
0x35: {  	s15 =	sadd.s32 $0x2BF8, s14;
	s17 =	sadd.s32 $0x3F8, s14  }
0x36: {  	[tilespmem:s15], [sflag:$0x1] =	stream.indirect.gather [spmem:s1], $0x1, s17, s10, $0xb8;
	[tilespmem:$0x5278] =	vst v63  }
0x37: {  	s15 =	sadd.s32 $0x2C78, s14;
	s14 =	sadd.s32 $0x478, s14  }
0x38: {  	[tilespmem:s15], [sflag:$0x1] =	stream.indirect.gather [spmem:s1], $0x1, s14, s10, $0xb8;
	[tilespmem:$0x5278] =	vst v63  }
0x39: {  	_ =	swait.ge [sflag:s11], $0x80  }
0x3a: {  	[sflag:s11] =	ssyncset.done $0x0  }
0x3b: {  	[sflag:s11] =	ssyncadd.s32 $0xFFFFFF80  }
0x3c: {  	_ =	swait.ge [sflag:s11], $0x80  }
0x3d: {  	[sflag:s11] =	ssyncset.done $0x0  }
0x3e: {  	[sflag:s11] =	ssyncadd.s32 $0xFFFFFF80  }
0x3f: {  	_ =	swait.ge [sflag:s11], $0x80  }
0x40: {  	[sflag:s11] =	ssyncset.done $0x0  }
0x41: {  	[sflag:s11] =	ssyncadd.s32 $0xFFFFFF80  }
.Ltmp0:
0x42: {  	_ =	swait.ge [sflag:s11], $0x80;
	(pc) =	sbr.rel @p1 .LBB2_2-.Ltmp0, $4  }
0x43: {  	[sflag:s11] =	ssyncset.done $0x0  }
0x44: {  	[sflag:s11] =	ssyncadd.s32 $0xFFFFFF80  }
0x45: {  	_ =	swait.ge [sflag:s11], $0x80  }
0x46: {  	s14 =	sshra.s32 s18, $0x2;
	s15 =	smov.u32 s16;
	[sflag:s11] =	ssyncset.done $0x0  }
0x47: {  	s15 =	sadd.s32 $0x2A78, s14;
	s16 =	sadd.s32 $0x278, s14;
	[sflag:s11] =	ssyncadd.s32 $0xFFFFFF80  }
0x48: {  	[tilespmem:s15], [sflag:$0x1] =	stream.indirect.gather [spmem:s1], $0x1, s16, s10, $0xb8;
	[tilespmem:$0x5278] =	vst v63  }
0x49: {  	s23 =	sadd.s32 $0x2AF8, s14;
	s24 =	sadd.s32 $0x2F8, s14  }
0x4a: {  	[tilespmem:s23], [sflag:$0x1] =	stream.indirect.gather [spmem:s1], $0x1, s24, s10, $0xb8;
	[tilespmem:$0x5278] =	vst v63  }
0x4b: {  	s25 =	sadd.s32 $0x2B78, s14;
	s26 =	sadd.s32 $0x378, s14  }
0x4c: {  	[tilespmem:s25], [sflag:$0x1] =	stream.indirect.gather [spmem:s1], $0x1, s26, s10, $0xb8;
	[tilespmem:$0x5278] =	vst v63  }
0x4d: {  	s28 =	sadd.s32 $0x2BF8, s14;
	s29 =	sadd.s32 $0x3F8, s14  }
0x4e: {  	[tilespmem:s28], [sflag:$0x1] =	stream.indirect.gather [spmem:s1], $0x1, s29, s10, $0xb8;
	[tilespmem:$0x5278] =	vst v63  }
0x4f: {  	s30 =	sadd.s32 $0x2C78, s14;
	s31 =	sadd.s32 $0x478, s14  }
0x50: {  	[tilespmem:s30], [sflag:$0x1] =	stream.indirect.gather [spmem:s1], $0x1, s31, s10, $0xb8;
	[tilespmem:$0x5278] =	vst v63  }
0x51: {  	_ =	swait.ge [sflag:s11], $0x80  }
0x52: {  	[sflag:s11] =	ssyncset.done $0x0  }
0x53: {  	[sflag:s11] =	ssyncadd.s32 $0xFFFFFF80  }
0x54: {  	_ =	swait.ge [sflag:s11], $0x80  }
0x55: {  	[sflag:s11] =	ssyncset.done $0x0  }
0x56: {  	[sflag:s11] =	ssyncadd.s32 $0xFFFFFF80  }
0x57: {  	_ =	swait.ge [sflag:s11], $0x80  }
0x58: {  	[sflag:s11] =	ssyncset.done $0x0  }
0x59: {  	[sflag:s11] =	ssyncadd.s32 $0xFFFFFF80  }
0x5a: {  	_ =	swait.ge [sflag:s11], $0x80  }
0x5b: {  	[sflag:s11] =	ssyncset.done $0x0  }
0x5c: {  	[sflag:s11] =	ssyncadd.s32 $0xFFFFFF80  }
0x5d: {  	s13 =	sadd.s32 $0x1, s13;
	_ =	swait.ge [sflag:s11], $0x80  }
0x5e: {  	p1 =	sne.s32 s13, s6;
	[sflag:s11] =	ssyncset.done $0x0  }
.Ltmp1:
0x5f: {  	[sflag:s11] =	ssyncadd.s32 $0xFFFFFF80;
	(pc) =	sbr.rel @p1 .LBB2_1-.Ltmp1, $4  }
0x60: {  	[hbm4b:s5+s2] =	stream.linear.scatter [tilespmem:s12], [sflag:$0x2], $0x2800, $0x38;
	[tilespmem:$0x5278] =	vst v63  }
0x61: {  	_ =	swait.ge [sflag:s9], $0x2800  }
0x62: {  	[sflag:s9] =	ssyncset.done $0x0  }
0x63: {  	[sflag:s9] =	ssyncadd.s32 $0xFFFFD800  }
0x64: {  	_ =	sfence.sel $0x180000  }
0x65: {  	[bflag:$0x0] =	sbarrier.arrive $0xFFFF  }
0x66: {  	_ =	strace $0x9000004D  }
0x67: {  	s0 =	sadd.s32 @!p0 $0x100000, s0;
	[bflag:$0x2] =	sbarrier.arrive $0xFFFF  }
0x68: {  	[sflag:s0] =	ssyncadd.tile.s32 @!p0 $0x1;
	_ =	shalt  }
.Lfunc_end2:
_tile_overlayer_lowered:
.L_overlay_start_2:
0x69: {  	(tag) =	ssettag $0x2  }
0x6a: {  	s0 =	rddreg [dreg:$0x0];
	s2 =	stileid.u32  }
0x6b: {  	s1 =	rddreg [dreg:$0x1];
	p0 =	sne.s32 s2, $0x0  }
0x6c: {  	s3 =	rddreg [dreg:$0x2];
	[bflag:$0x3] =	sbarrier.arrive $0xFFFF;
	s2 =	simm.s32 @!p0 $0x1C02  }
0x6d: {  	[timem:s3], [sflag:s2] =	dma.local @!p0 [hbm:s0], s1  }
0x6e: {  	s0 =	simm.s32 @!p0 $0x2  }
0x6f: {  	_ =	swait.ge @!p0 [sflag:s0], s1  }
0x70: {  	s1 =	ssub.s32 @!p0 $0x0, s1;
	[sflag:s0] =	ssyncset.done @!p0 $0x0  }
0x71: {  	[sflag:s0] =	ssyncadd.s32 @!p0 s1  }
0x72: {  	[bflag:$0x3] =	sbarrier.arrive $0xFFFF  }
0x73: {  	_ =	shalt  }

// kernel: kernel.14.cloned.1.call-start
scs
__scs_entry_jumppad:
0x0: {  	(pc) =	sbr.rel $0x88, $3  }
0x1: {  	(tag) =	ssettag $0x0;
	lr =	simm.s32 $0x1  }
0x2: {  	[smem:$0x3F98] =	sst lr;
	_ =	strace $0xD0000000  }
0x3: {  	_ = 	snop  }
0x4: {  	_ = 	snop  }
0x5: {  	_ = 	snop  }
0x6: {  	_ = 	snop  }
0x7: {  	_ = 	snop  }
__scs_overlays_trampoline_lowered:
0x8: {  	[smem:$0x3FA7] =	sst s0  }
0x9: {  	[smem:$0x3FA8] =	sst s1  }
0xa: {  	[smem:$0x3FA9] =	sst s2  }
0xb: {  	[smem:$0x3FAA] =	sst s3  }
0xc: {  	[smem:$0x3FAB] =	sst s4  }
0xd: {  	[smem:$0x3FAC] =	sst s5  }
0xe: {  	[smem:$0x3FAD] =	sst s6  }
0xf: {  	[smem:$0x3FAE] =	sst s7  }
0x10: {  	[smem:$0x3FAF] =	sst s8  }
0x11: {  	[smem:$0x3FB0] =	sst s9;
	s0 =	simm.s32 @!p0 $0x0  }
0x12: {  	s1 =	sld [smem:$0x3F96];
	s0 =	simm.s32 @p0 $0x1  }
0x13: {  	[smem:$0x3FB1] =	sst s0;
	s0 =	simm.s32 @!p1 $0x0  }
0x14: {  	s2 =	sld [smem:$0x3F95];
	s0 =	simm.s32 @p1 $0x1  }
0x15: {  	[smem:$0x3FB2] =	sst s0;
	s0 =	simm.s32 @!p2 $0x0  }
0x16: {  	s3 =	sld [smem:$0x3FDB];
	s0 =	simm.s32 @p2 $0x1  }
0x17: {  	s4 =	simm.s32 $0x1BF5;
	[smem:$0x3FB4] =	sst s0  }
0x18: {  	s0 =	sld [smem:$0x3F97];
	_ =	swait.ge [sflag:s4], $0x0  }
0x19: {  	s7 =	sld [smem:$0x3F98]  }
0x1a: {  	s8 =	sadd.s32 $0xFFFFE003, lr  }
0x1b: {  	s9 =	sadd.s32 $0xFFFFFEF7, lr;
	s5 =	simm.s32 $0xFFFFFFFF;
	p2 =	slt.u32 s8, $0xFFFFF086  }
0x1c: {  	p1 =	slt.u32 s9, $0xF7A;
	s5 =	simm.s32 @!p2 $0x0  }
0x1d: {  	s5 =	simm.s32 @p1 $0x1;
	p0 =	seq.s32 s7, s2  }
0x1e: {  	s7 =	smul.u32 @!p0 $0xF7A, s2;
	p2 =	seq.s32 @!p0 s5, $0x0  }
0x1f: {  	s9 =	smul.u32 $0xF7A, s1;
	s8 =	simm.s32 @!p0 $0x1BF5;
	p2 =	por !p2, p0  }
0x20: {  	[sflag:s8] =	ssyncset.s32 @!p0 $0xFFFFF086;
	s6 =	sadd.s32 @!p0 s3, s7;
	s7 =	simm.s32 @!p0 $0x108  }
0x21: {  	s3 =	sadd.s32 s3, s9;
	s6 =	sadd.s32 @!p0 $0x88, s6;
	s7 =	simm.s32 @p2 $0x1082  }
0x22: {  	[simem:s7], [sflag:s8] =	dma.local @!p0 [hbm:s6], $0xF7A  }
0x23: {  	s9 =	sor.u32 $0xD0000000, s2;
	s6 =	simm.s32 $0x108;
	_ =	swait.ge @!p0 [sflag:s8], $0x0  }
0x24: {  	s3 =	sadd.s32 $0x88, s3;
	s6 =	simm.s32 @!p1 $0x1082;
	[sflag:s4] =	ssyncset.s32 $0xFFFFF086  }
0x25: {  	[simem:s6], [sflag:s4] =	dma.local [hbm:s3], $0xF7A  }
0x26: {  	[smem:$0x3F98] =	sst s1;
	(tag) =	ssettag s2;
	_ =	strace s9  }
0x27: {  	s1 =	sld [smem:$0x3FA8]  }
0x28: {  	s2 =	sld [smem:$0x3FA9]  }
0x29: {  	s4 =	sld [smem:$0x3FAB]  }
0x2a: {  	p0 =	seq.s32 s5, $0x0;
	s5 =	sld [smem:$0x3FAC]  }
0x2b: {  	s6 =	sld [smem:$0x3FAD]  }
0x2c: {  	s7 =	sld [smem:$0x3FAE]  }
0x2d: {  	s3 =	simm.s32 $0x108;
	s8 =	sld [smem:$0x3FAF]  }
0x2e: {  	s3 =	simm.s32 @!p0 $0x1082;
	s9 =	sld [smem:$0x3FB0]  }
0x2f: {  	lr =	sadd.s32 s0, s3;
	s0 =	sld [smem:$0x3FA7]  }
0x30: {  	s3 =	sld [smem:$0x3FAA]  }
0x31: {  	[smem:$0x3FB3] =	sst s10  }
0x32: {  	s10 =	sld [smem:$0x3FB1];
	_ =	sdelay $0x3  }
0x33: {  	p0 =	seq.s32 s10, $0x1;
	s10 =	sld [smem:$0x3FB3];
	_ =	sdelay $0x3  }
0x34: {  	[smem:$0x3FB3] =	sst s10  }
0x35: {  	s10 =	sld [smem:$0x3FB2];
	_ =	sdelay $0x3  }
0x36: {  	p1 =	seq.s32 s10, $0x1;
	s10 =	sld [smem:$0x3FB3];
	_ =	sdelay $0x3  }
0x37: {  	[smem:$0x3FB3] =	sst s10  }
0x38: {  	s10 =	sld [smem:$0x3FB4]  }
0x39: {  	_ = 	snop;
	(pc) =	sbr.ind lr, $3  }
0x3a: {  	_ = 	snop  }
0x3b: {  	_ = 	snop  }
0x3c: {  	p2 =	seq.s32 s10, $0x1;
	s10 =	sld [smem:$0x3FB3]  }
0x3d: {  	_ =	shalt  }
0x3e: {  	_ =	shalt  }
0x3f: {  	_ =	shalt  }
0x40: {  	_ =	shalt  }
0x41: {  	_ =	shalt  }
0x42: {  	_ =	shalt  }
0x43: {  	_ =	shalt  }
0x44: {  	_ =	shalt  }
0x45: {  	_ =	shalt  }
0x46: {  	_ =	shalt  }
0x47: {  	_ =	shalt  }
0x48: {  	_ =	shalt  }
0x49: {  	_ =	shalt  }
0x4a: {  	_ =	shalt  }
0x4b: {  	_ =	shalt  }
0x4c: {  	_ =	shalt  }
0x4d: {  	_ =	shalt  }
0x4e: {  	_ =	shalt  }
0x4f: {  	_ =	shalt  }
0x50: {  	_ =	shalt  }
0x51: {  	_ =	shalt  }
0x52: {  	_ =	shalt  }
0x53: {  	_ =	shalt  }
0x54: {  	_ =	shalt  }
0x55: {  	_ =	shalt  }
0x56: {  	_ =	shalt  }
0x57: {  	_ =	shalt  }
0x58: {  	_ =	shalt  }
0x59: {  	_ =	shalt  }
0x5a: {  	_ =	shalt  }
0x5b: {  	_ =	shalt  }
0x5c: {  	_ =	shalt  }
0x5d: {  	_ =	shalt  }
0x5e: {  	_ =	shalt  }
0x5f: {  	_ =	shalt  }
0x60: {  	_ =	shalt  }
0x61: {  	_ =	shalt  }
0x62: {  	_ =	shalt  }
0x63: {  	_ =	shalt  }
0x64: {  	_ =	shalt  }
0x65: {  	_ =	shalt  }
0x66: {  	_ =	shalt  }
0x67: {  	_ =	shalt  }
0x68: {  	_ =	shalt  }
0x69: {  	_ =	shalt  }
0x6a: {  	_ =	shalt  }
0x6b: {  	_ =	shalt  }
0x6c: {  	_ =	shalt  }
0x6d: {  	_ =	shalt  }
0x6e: {  	_ =	shalt  }
0x6f: {  	_ =	shalt  }
0x70: {  	_ =	shalt  }
0x71: {  	_ =	shalt  }
0x72: {  	_ =	shalt  }
0x73: {  	_ =	shalt  }
0x74: {  	_ =	shalt  }
0x75: {  	_ =	shalt  }
0x76: {  	_ =	shalt  }
0x77: {  	_ =	shalt  }
0x78: {  	_ =	shalt  }
0x79: {  	_ =	shalt  }
0x7a: {  	_ =	shalt  }
0x7b: {  	_ =	shalt  }
0x7c: {  	_ =	shalt  }
0x7d: {  	_ =	shalt  }
0x7e: {  	_ =	shalt  }
0x7f: {  	_ =	shalt  }
0x80: {  	_ =	shalt  }
0x81: {  	_ =	shalt  }
0x82: {  	_ =	shalt  }
0x83: {  	_ =	shalt  }
0x84: {  	_ =	shalt  }
0x85: {  	_ =	shalt  }
0x86: {  	_ =	shalt  }
0x87: {  	_ =	shalt  }
.Lfunc_end0:
.L_simem_size_0:
called_computation.2_lowered:
.L_overlay_start_0:
0x88: {  	s2 =	sld [smem:$0x3FD9]  }
0x89: {  	s3 =	sld [smem:$0x3FFE];
	_ =	sdelay $0x1  }
0x8a: {  	s1 =	srdreg.scid  }
0x8b: {  	s0 =	sand.u32 $0x1, s1  }
0x8c: {  	s15 =	sshll.u32 s0, $0xA;
	s2 =	sadd.s32 s3, s2  }
0x8d: {  	s2 =	sadd.s32 s2, s15  }
0x8e: {  	[smem:$0x3FBF] =	sst s2  }
0x8f: {  	_ = 	snop  }
0x90: {  	s2 =	sld [smem:$0x3FD0];
	_ =	sdelay $0x2  }
0x91: {  	s16 =	simm.s32 $0xB;
	s4 =	simm.s32 $0x10  }
0x92: {  	[smem:s4], [sflag:s16] =	dma.local [hbm:s2], $0x1  }
0x93: {  	_ =	swait.eq [sflag:s16], $0x1  }
0x94: {  	[sflag:s16] =	ssyncset.done $0x0  }
0x95: {  	[sflag:s16] =	ssyncadd.s32 $0xFFFFFFFF  }
0x96: {  	s17 =	sld [smem:$0x11];
	(tm) =	ssettm $0x1  }
0x97: {  	s18 =	sld [smem:$0x3FFB];
	_ =	sdelay $0x3  }
0x98: {  	_ =	strace s18  }
0x99: {  	s2 =	sld [smem:$0x3FFC];
	_ =	sdelay $0x3  }
0x9a: {  	_ =	strace s2  }
0x9b: {  	s2 =	sld [smem:$0x3FFD];
	_ =	sdelay $0x3  }
0x9c: {  	_ =	strace s2  }
0x9d: {  	_ =	strace $0x8FFFFFFF  }
0x9e: {  	s19 =	sld [smem:$0x3FDB];
	_ =	sdelay $0x1  }
0x9f: {  	s20 =	simm.s32 $_scs_section_size  }
0xa0: {  	s5 =	simm.s32 $_size__tile_overlayer_lowered;
	s6 =	simm.s32 $_tile_overlayer_lowered  }
0xa1: {  	s7 =	simm.s32 $0x1BFF;
	s21 =	sshll.u32 s6, $0x1;
	s4 =	sadd.s32 s20, s19  }
0xa2: {  	s22 =	simm.s32 $0x0;
	s5 =	sshll.u32 s5, $0x1;
	s6 =	sadd.s32 s21, s4  }
0xa3: {  	[timem:s22], [sflag:s7] =	dma.local [hbm:s6], s5  }
0xa4: {  	_ =	swait.ge [sflag:s7], s5  }
0xa5: {  	s5 =	ssub.s32 $0x0, s5;
	[sflag:s7] =	ssyncset.done $0x0  }
0xa6: {  	[sflag:s7] =	ssyncadd.s32 s5;
	_ =	sdelay $0x1  }
0xa7: {  	s23 =	simm.s32 $0x1B8B  }
0xa8: {  	_ =	swait.ge [sflag:s23], $0x1  }
0xa9: {  	[sflag:s23] =	ssyncset.done $0x0  }
0xaa: {  	[sflag:s23] =	ssyncadd.s32 $0xFFFFFFFF  }
0xab: {  	s5 =	sld [smem:$0x0]  }
0xac: {  	s6 =	sand.u32 $0xFFFFFFFE, s1  }
0xad: {  	p0 =	sne.s32 s1, s6  }
0xae: {  	s6 =	sshll.u32 @p0 s6, $0xE  }
0xaf: {  	s6 =	sadd.s32 @p0 $0x11B8D, s6;
	s7 =	sshll.u32 @p0 s5, $0x11  }
0xb0: {  	s6 =	sor.u32 @p0 s7, s6  }
0xb1: {  	[sflag:s6] =	ssyncadd.remote.s32 @p0 $0x1;
	_ =	sdelay $0x1  }
0xb2: {  	s6 =	simm.s32 @p0 $0x1B8D  }
0xb3: {  	_ =	swait.eq @p0 [sflag:s6], $0x1  }
0xb4: {  	[sflag:s6] =	ssyncadd.s32 @p0 $0xFFFFFFFF  }
0xb5: {  	s7 =	sshll.u32 @!p0 s1, $0xE  }
0xb6: {  	s7 =	sor.u32 @!p0 $0x4000, s7;
	s6 =	simm.s32 @!p0 $0x1B8D  }
0xb7: {  	s5 =	sshll.u32 @!p0 s5, $0x11;
	s7 =	sadd.s32 @!p0 $0x11B8D, s7;
	_ =	swait.eq @!p0 [sflag:s6], $0x1  }
0xb8: {  	s5 =	sor.u32 @!p0 s5, s7;
	[sflag:s6] =	ssyncadd.s32 @!p0 $0xFFFFFFFF  }
0xb9: {  	s25 =	simm.s32 $0x1B8E;
	s24 =	sld [smem:$0x3FFE];
	[sflag:s5] =	ssyncadd.remote.s32 @!p0 $0x1  }
0xba: {  	s26 =	simm.s32 $execute0_lowered;
	[smem:$0x3FD2] =	sst s25  }
0xbb: {  	s6 =	sshll.u32 s26, $0x1;
	_ =	strace $0x80000049;
	[dreg:$0x1] =	wrdreg $0xFFFFFFFF  }
0xbc: {  	s28 =	simm.s32 $_size_execute0_lowered;
	s4 =	sadd.s32 s4, s6;
	[dreg:$0x0] =	wrdreg $0x0  }
0xbd: {  	s6 =	sshll.u32 s28, $0x1;
	[dreg:$0x2] =	wrdreg s4  }
0xbe: {  	[dreg:$0x3] =	wrdreg s6  }
0xbf: {  	[dreg:$0x4] =	wrdreg $0xC0  }
0xc0: {  	_ =	task [dreg:s22], $0x5FFFF  }
0xc1: {  	[dreg:$0x1] =	wrdreg $0xFFFFFFFF  }
0xc2: {  	[dreg:$0x0] =	wrdreg $0x60  }
0xc3: {  	[dreg:$0x2] =	wrdreg s24  }
0xc4: {  	[dreg:$0x3] =	wrdreg s17  }
0xc5: {  	[dreg:$0x4] =	wrdreg $0x0  }
0xc6: {  	[dreg:$0x5] =	wrdreg $0x9  }
0xc7: {  	_ =	task.clear_ibuf [dreg:s22], $0x6FFFF;
	_ =	strace $0x90000049  }
0xc8: {  	s29 =	simm.s32 $0x9;
	_ =	strace $0x8000004B  }
0xc9: {  	_ =	swait.ge [sflag:s29], $0x1  }
0xca: {  	[sflag:s29] =	ssyncadd.s32 $0xFFFFFFFF  }
0xcb: {  	_ =	strace $0x9000004B  }
0xcc: {  	_ =	sfence  }
0xcd: {  	s30 =	sld [smem:$0x0];
	_ =	sdelay $0x2  }
0xce: {  	s31 =	sshll.u32 s1, $0xD;
	s1 =	sshrl.u32 s1, $0x2  }
0xcf: {  	s4 =	sand.u32 $0x4000, s31;
	s1 =	sadd.s32 s1, s30  }
0xd0: {  	s0 =	sor.u32 s4, s0;
	s1 =	sshll.u32 s1, $0x11  }
0xd1: {  	s0 =	sor.u32 s1, s0  }
0xd2: {  	s0 =	sadd.s32 $0x8F2B, s0  }
0xd3: {  	[sflag:s0] =	ssyncadd.remote.s32 $0x1  }
0xd4: {  	_ =	sfence.sel $0xFFFF  }
0xd5: {  	[dreg:$0x0] =	wrdreg $0xFFFFFFFF;
	(pc) =	sbr.abs _section_cstart, $3  }
0xd6: {  	[dreg:$0x1] =	wrdreg $0xFFFFFFFF  }
0xd7: {  	_ =	task.clear_ibuf [dreg:s22], $0x2FFFF;
	_ =	strace $0x9FFFFFFF  }
0xd8: {  	(tm) =	ssettm $0x7FFFFFFF  }
0xd9: {  	_ =	shalt  }
tec
execute0_lowered:
.L_overlay_start_1:
0x0: {  	(tag) =	ssettag $0x1  }
0x1: {  	s4 =	rddreg [dreg:$0x0]  }
0x2: {  	s5 =	rddreg [dreg:$0x1]  }
0x3: {  	s1 =	rddreg [dreg:$0x2]  }
0x4: {  	s2 =	srdreg.scid;
	s0 =	rddreg [dreg:$0x3]  }
0x5: {  	s3 =	simm.s32 $0x0;
	s16 =	simm.s32 $0x16400;
	s17 =	simm.s32 $0x1A400  }
0x6: {  	s18 =	simm.s32 $0x1;
	s19 =	simm.s32 $0x80;
	s20 =	simm.s32 $0x2  }
0x7: {  	s21 =	simm.s32 $0x3;
	s22 =	simm.s32 $0x4;
	s23 =	simm.s32 $0x16300  }
0x8: {  	s24 =	simm.s32 $0x16380;
	s8 =	sand.u32 $0x1, s2;
	s2 =	stileid.u32  }
0x9: {  	s25 =	simm.s32 $0x0;
	[smem:$0x7FF] =	sst s3;
	s7 =	smul.u32 $0x2780, s2  }
0xa: {  	s11 =	sadd.s32 $0x4E5400, s4;
	s6 =	sshll.u32 s8, $0x4;
	s12 =	smul.u32 $0x4F000, s2  }
0xb: {  	_ =	strace $0x8000004A;
	s10 =	ssub.s32 $0x2, s8;
	s28 =	smul.u32 $0x1400000, s8  }
0xc: {  	s30 =	smul.u32 $0x140000, s2;
	p0 =	seq.s32 s8, $0x1;
	s6 =	sor.u32 s2, s6  }
0xd: {  	s31 =	sshll.u32 s2, $0x6;
	s26 =	sshrl.u32 s10, $0x1;
	s9 =	smul.u32 $0x500, s6  }
0xe: {  	s6 =	smul.u32 $0x28000, s6;
	s10 =	ssub.s32 s10, s26;
	s29 =	sshrl.u32 s12, $0x2  }
0xf: {  	s13 =	sadd.s32 s7, s4;
	s15 =	sadd.s32 s29, s1;
	s8 =	smax.u32 s10, $0x1  }
0x10: {  	s10 =	simm.s32 $0xA2A00;
	s4 =	sadd.s32 s5, s9;
	s5 =	sadd.s32 s11, s6  }
0x11: {  	s6 =	sadd.s32 $0x53A00, s13;
	s9 =	sadd.s32 s30, s28;
	s10 =	simm.s32 @!p0 $0x7B200  }
0x12: {  	s15 =	sshrl.u32 s15, $0x3;
	s12 =	sor.u32 $0xC000, s9;
	s9 =	sor.u32 $0x8000, s9  }
0x13: {  	s7 =	sadd.s32 $0x800, s5;
	s12 =	sshrl.u32 s12, $0x3;
	s14 =	sshrl.u32 s9, $0x3  }
0x14: {  	s9 =	sadd.s32 s10, s13;
	s13 =	simm.s32 $0x5;
	s10 =	sadd.s32 s12, s11  }
0x15: {  	s11 =	sadd.s32 s14, s11;
	s12 =	simm.s32 $0x13C00;
	s14 =	sor.u32 $0x1C05, s31  }
.LBB2_1:
0x16: {  	[tilespmem:s12], [sflag:$0x5] =	stream.linear.gather [hbm4b:s4+s3], $0x2800, $0x38;
	[tilespmem:$0x1E400] =	vst v63  }
0x17: {  	_ =	swait.ge [sflag:s13], $0x2800  }
0x18: {  	[sflag:s13] =	ssyncset.done $0x0  }
0x19: {  	[sflag:s13] =	ssyncadd.s32 $0xFFFFD800  }
0x1a: {  	[spmem:s15], [sflag:s14] =	dma.local [hbm:s6], $0x2780  }
0x1b: {  	_ =	swait.ge [sflag:s13], $0x2780  }
0x1c: {  	[sflag:s13] =	ssyncset.done $0x0  }
0x1d: {  	[sflag:s13] =	ssyncadd.s32 $0xFFFFD880  }
0x1e: {  	[bflag:$0x0] =	sbarrier.arrive $0xFFFF  }
0x1f: {  	[tilespmem:s16], [sflag:$0x1] =	stream.linear.gather [hbm4b:s5+s3], $0x4000, $0x38;
	[tilespmem:$0x1E400] =	vst v63  }
0x20: {  	_ = 	snop  }
0x21: {  	[tilespmem:s17], [sflag:$0x2] =	stream.linear.gather [hbm4b:s7+s3], $0x4000, $0x38;
	[tilespmem:$0x1E400] =	vst v63  }
0x22: {  	_ =	swait.ge [sflag:s18], $0x4000  }
0x23: {  	[sflag:s18] =	ssyncset.done $0x0  }
0x24: {  	s26 =	simm.s32 $0x13C00;
	[sflag:s18] =	ssyncadd.s32 $0xFFFFC000  }
0x25: {  	[spmem:s1] =	stream.indirect.scatter.add.f32 [tilespmem:s16], [sflag:$0x3], $0x80, s26, s19, $0xb8;
	[tilespmem:$0x1E400] =	vst v63  }
0x26: {  	_ =	swait.ge [sflag:s20], $0x4000  }
0x27: {  	[sflag:s20] =	ssyncset.done $0x0  }
0x28: {  	s30 =	simm.s32 $0x13C80;
	[sflag:s20] =	ssyncadd.s32 $0xFFFFC000  }
0x29: {  	[spmem:s1] =	stream.indirect.scatter.add.f32 [tilespmem:s17], [sflag:$0x4], $0x80, s30, s19, $0xb8;
	[tilespmem:$0x1E400] =	vst v63  }
0x2a: {  	_ =	swait.ge [sflag:s21], $0x4000  }
0x2b: {  	[sflag:s21] =	ssyncset.done $0x0  }
0x2c: {  	s31 =	sadd.s32 $0x0, s11;
	[sflag:s21] =	ssyncadd.s32 $0xFFFFC000  }
0x2d: {  	[tilespmem:s16], [sflag:$0x1] =	stream.linear.gather [hbm4b:s31+s3], $0x4000, $0x38;
	[tilespmem:$0x1E400] =	vst v63  }
0x2e: {  	_ =	swait.ge [sflag:s22], $0x4000  }
0x2f: {  	s29 =	sadd.s32 $0x0, s10;
	[sflag:s22] =	ssyncset.done $0x0  }
0x30: {  	s28 =	simm.s32 $0x13D80;
	s26 =	simm.s32 $0x1000;
	[sflag:s22] =	ssyncadd.s32 $0xFFFFC000  }
.LBB2_2:
0x31: {  	[tilespmem:s17], [sflag:$0x2] =	stream.linear.gather [hbm4b:s29+s3], $0x4000, $0x38;
	[tilespmem:$0x1E400] =	vst v63  }
0x32: {  	s29 =	smov.u32 s26  }
0x33: {  	p0 =	sne.s32 s26, $0x26000;
	s26 =	sadd.s32 $0x1000, s26;
	_ =	swait.ge [sflag:s18], $0x4000  }
0x34: {  	[sflag:s18] =	ssyncset.done $0x0  }
0x35: {  	s30 =	sadd.s32 $0xFFFFFF80, s28;
	[sflag:s18] =	ssyncadd.s32 $0xFFFFC000  }
0x36: {  	[spmem:s1] =	stream.indirect.scatter.add.f32 [tilespmem:s16], [sflag:$0x3], $0x80, s30, s19, $0xb8;
	[tilespmem:$0x1E400] =	vst v63  }
0x37: {  	_ =	swait.ge [sflag:s20], $0x4000  }
0x38: {  	[sflag:s20] =	ssyncset.done $0x0  }
0x39: {  	[sflag:s20] =	ssyncadd.s32 $0xFFFFC000  }
0x3a: {  	[spmem:s1] =	stream.indirect.scatter.add.f32 [tilespmem:s17], [sflag:$0x4], $0x80, s28, s19, $0xb8;
	[tilespmem:$0x1E400] =	vst v63  }
0x3b: {  	_ =	swait.ge [sflag:s21], $0x4000  }
0x3c: {  	[sflag:s21] =	ssyncset.done $0x0  }
.Ltmp0:
0x3d: {  	s30 =	sadd.s32 s29, s11;
	[sflag:s21] =	ssyncadd.s32 $0xFFFFC000;
	(pc) =	sbr.rel @p0 .LBB2_2-.Ltmp0, $4  }
0x3e: {  	[tilespmem:s16], [sflag:$0x1] =	stream.linear.gather [hbm4b:s30+s3], $0x4000, $0x38;
	[tilespmem:$0x1E400] =	vst v63  }
0x3f: {  	_ =	swait.ge [sflag:s22], $0x4000  }
0x40: {  	[sflag:s22] =	ssyncset.done $0x0  }
0x41: {  	s29 =	sadd.s32 s29, s10;
	s28 =	sadd.s32 $0x100, s28;
	[sflag:s22] =	ssyncadd.s32 $0xFFFFC000  }
0x42: {  	[tilespmem:s17], [sflag:$0x2] =	stream.linear.gather [hbm4b:s29+s3], $0x4000, $0x38;
	[tilespmem:$0x1E400] =	vst v63  }
0x43: {  	_ =	swait.ge [sflag:s18], $0x4000  }
0x44: {  	[sflag:s18] =	ssyncset.done $0x0  }
0x45: {  	[sflag:s18] =	ssyncadd.s32 $0xFFFFC000  }
0x46: {  	[spmem:s1] =	stream.indirect.scatter.add.f32 [tilespmem:s16], [sflag:$0x3], $0x80, s23, s19, $0xb8;
	[tilespmem:$0x1E400] =	vst v63  }
0x47: {  	_ =	swait.ge [sflag:s20], $0x4000  }
0x48: {  	[sflag:s20] =	ssyncset.done $0x0  }
0x49: {  	[sflag:s20] =	ssyncadd.s32 $0xFFFFC000  }
0x4a: {  	[spmem:s1] =	stream.indirect.scatter.add.f32 [tilespmem:s17], [sflag:$0x4], $0x80, s24, s19, $0xb8;
	[tilespmem:$0x1E400] =	vst v63  }
0x4b: {  	_ =	swait.ge [sflag:s21], $0x4000  }
0x4c: {  	[sflag:s21] =	ssyncset.done $0x0  }
0x4d: {  	[sflag:s21] =	ssyncadd.s32 $0xFFFFC000  }
0x4e: {  	_ =	swait.ge [sflag:s22], $0x4000  }
0x4f: {  	s25 =	sadd.s32 $0x1, s25;
	[sflag:s22] =	ssyncset.done $0x0  }
0x50: {  	p0 =	sne.s32 s25, s8;
	[sflag:s22] =	ssyncadd.s32 $0xFFFFC000  }
.Ltmp1:
0x51: {  	[bflag:$0x0] =	sbarrier.arrive $0xFFFF;
	(pc) =	sbr.rel @p0 .LBB2_1-.Ltmp1, $4  }
0x52: {  	[hbm:s9], [sflag:s14] =	dma.local [spmem:s15], $0x2780  }
0x53: {  	_ =	swait.ge [sflag:s13], $0x2780  }
0x54: {  	[sflag:s13] =	ssyncset.done $0x0  }
0x55: {  	[sflag:s13] =	ssyncadd.s32 $0xFFFFD880  }
0x56: {  	_ =	sfence.sel $0x180000  }
0x57: {  	[bflag:$0x0] =	sbarrier.arrive $0xFFFF  }
0x58: {  	p0 =	sne.s32 s2, $0x0;
	_ =	strace $0x9000004A  }
0x59: {  	s0 =	sadd.s32 @!p0 $0x100000, s0;
	[bflag:$0x2] =	sbarrier.arrive $0xFFFF  }
0x5a: {  	[sflag:s0] =	ssyncadd.tile.s32 @!p0 $0x1;
	_ =	shalt  }
.Lfunc_end2:
_tile_overlayer_lowered:
.L_overlay_start_2:
0x5b: {  	(tag) =	ssettag $0x2  }
0x5c: {  	s0 =	rddreg [dreg:$0x0];
	s2 =	stileid.u32  }
0x5d: {  	s1 =	rddreg [dreg:$0x1];
	p0 =	sne.s32 s2, $0x0  }
0x5e: {  	s3 =	rddreg [dreg:$0x2];
	[bflag:$0x3] =	sbarrier.arrive $0xFFFF;
	s2 =	simm.s32 @!p0 $0x1C05  }
0x5f: {  	[timem:s3], [sflag:s2] =	dma.local @!p0 [hbm:s0], s1  }
0x60: {  	s0 =	simm.s32 @!p0 $0x5  }
0x61: {  	_ =	swait.ge @!p0 [sflag:s0], s1  }
0x62: {  	s1 =	ssub.s32 @!p0 $0x0, s1;
	[sflag:s0] =	ssyncset.done @!p0 $0x0  }
0x63: {  	[sflag:s0] =	ssyncadd.s32 @!p0 s1  }
0x64: {  	[bflag:$0x3] =	sbarrier.arrive $0xFFFF  }
0x65: {  	_ =	shalt  }

// kernel: kernel.8.cloned.1.call-start
scs
__scs_entry_jumppad:
0x0: {  	(pc) =	sbr.rel $0x88, $3  }
0x1: {  	(tag) =	ssettag $0x0;
	lr =	simm.s32 $0x1  }
0x2: {  	[smem:$0x3F98] =	sst lr;
	_ =	strace $0xD0000000  }
0x3: {  	_ = 	snop  }
0x4: {  	_ = 	snop  }
0x5: {  	_ = 	snop  }
0x6: {  	_ = 	snop  }
0x7: {  	_ = 	snop  }
__scs_overlays_trampoline_lowered:
0x8: {  	[smem:$0x3FA7] =	sst s0  }
0x9: {  	[smem:$0x3FA8] =	sst s1  }
0xa: {  	[smem:$0x3FA9] =	sst s2  }
0xb: {  	[smem:$0x3FAA] =	sst s3  }
0xc: {  	[smem:$0x3FAB] =	sst s4  }
0xd: {  	[smem:$0x3FAC] =	sst s5  }
0xe: {  	[smem:$0x3FAD] =	sst s6  }
0xf: {  	[smem:$0x3FAE] =	sst s7  }
0x10: {  	[smem:$0x3FAF] =	sst s8  }
0x11: {  	[smem:$0x3FB0] =	sst s9;
	s0 =	simm.s32 @!p0 $0x0  }
0x12: {  	s1 =	sld [smem:$0x3F96];
	s0 =	simm.s32 @p0 $0x1  }
0x13: {  	[smem:$0x3FB1] =	sst s0;
	s0 =	simm.s32 @!p1 $0x0  }
0x14: {  	s2 =	sld [smem:$0x3F95];
	s0 =	simm.s32 @p1 $0x1  }
0x15: {  	[smem:$0x3FB2] =	sst s0;
	s0 =	simm.s32 @!p2 $0x0  }
0x16: {  	s3 =	sld [smem:$0x3FDB];
	s0 =	simm.s32 @p2 $0x1  }
0x17: {  	s4 =	simm.s32 $0x1BF5;
	[smem:$0x3FB4] =	sst s0  }
0x18: {  	s0 =	sld [smem:$0x3F97];
	_ =	swait.ge [sflag:s4], $0x0  }
0x19: {  	s7 =	sld [smem:$0x3F98]  }
0x1a: {  	s8 =	sadd.s32 $0xFFFFE003, lr  }
0x1b: {  	s9 =	sadd.s32 $0xFFFFFEF7, lr;
	s5 =	simm.s32 $0xFFFFFFFF;
	p2 =	slt.u32 s8, $0xFFFFF086  }
0x1c: {  	p1 =	slt.u32 s9, $0xF7A;
	s5 =	simm.s32 @!p2 $0x0  }
0x1d: {  	s5 =	simm.s32 @p1 $0x1;
	p0 =	seq.s32 s7, s2  }
0x1e: {  	s7 =	smul.u32 @!p0 $0xF7A, s2;
	p2 =	seq.s32 @!p0 s5, $0x0  }
0x1f: {  	s9 =	smul.u32 $0xF7A, s1;
	s8 =	simm.s32 @!p0 $0x1BF5;
	p2 =	por !p2, p0  }
0x20: {  	[sflag:s8] =	ssyncset.s32 @!p0 $0xFFFFF086;
	s6 =	sadd.s32 @!p0 s3, s7;
	s7 =	simm.s32 @!p0 $0x108  }
0x21: {  	s3 =	sadd.s32 s3, s9;
	s6 =	sadd.s32 @!p0 $0x88, s6;
	s7 =	simm.s32 @p2 $0x1082  }
0x22: {  	[simem:s7], [sflag:s8] =	dma.local @!p0 [hbm:s6], $0xF7A  }
0x23: {  	s9 =	sor.u32 $0xD0000000, s2;
	s6 =	simm.s32 $0x108;
	_ =	swait.ge @!p0 [sflag:s8], $0x0  }
0x24: {  	s3 =	sadd.s32 $0x88, s3;
	s6 =	simm.s32 @!p1 $0x1082;
	[sflag:s4] =	ssyncset.s32 $0xFFFFF086  }
0x25: {  	[simem:s6], [sflag:s4] =	dma.local [hbm:s3], $0xF7A  }
0x26: {  	[smem:$0x3F98] =	sst s1;
	(tag) =	ssettag s2;
	_ =	strace s9  }
0x27: {  	s1 =	sld [smem:$0x3FA8]  }
0x28: {  	s2 =	sld [smem:$0x3FA9]  }
0x29: {  	s4 =	sld [smem:$0x3FAB]  }
0x2a: {  	p0 =	seq.s32 s5, $0x0;
	s5 =	sld [smem:$0x3FAC]  }
0x2b: {  	s6 =	sld [smem:$0x3FAD]  }
0x2c: {  	s7 =	sld [smem:$0x3FAE]  }
0x2d: {  	s3 =	simm.s32 $0x108;
	s8 =	sld [smem:$0x3FAF]  }
0x2e: {  	s3 =	simm.s32 @!p0 $0x1082;
	s9 =	sld [smem:$0x3FB0]  }
0x2f: {  	lr =	sadd.s32 s0, s3;
	s0 =	sld [smem:$0x3FA7]  }
0x30: {  	s3 =	sld [smem:$0x3FAA]  }
0x31: {  	[smem:$0x3FB3] =	sst s10  }
0x32: {  	s10 =	sld [smem:$0x3FB1];
	_ =	sdelay $0x3  }
0x33: {  	p0 =	seq.s32 s10, $0x1;
	s10 =	sld [smem:$0x3FB3];
	_ =	sdelay $0x3  }
0x34: {  	[smem:$0x3FB3] =	sst s10  }
0x35: {  	s10 =	sld [smem:$0x3FB2];
	_ =	sdelay $0x3  }
0x36: {  	p1 =	seq.s32 s10, $0x1;
	s10 =	sld [smem:$0x3FB3];
	_ =	sdelay $0x3  }
0x37: {  	[smem:$0x3FB3] =	sst s10  }
0x38: {  	s10 =	sld [smem:$0x3FB4]  }
0x39: {  	_ = 	snop;
	(pc) =	sbr.ind lr, $3  }
0x3a: {  	_ = 	snop  }
0x3b: {  	_ = 	snop  }
0x3c: {  	p2 =	seq.s32 s10, $0x1;
	s10 =	sld [smem:$0x3FB3]  }
0x3d: {  	_ =	shalt  }
0x3e: {  	_ =	shalt  }
0x3f: {  	_ =	shalt  }
0x40: {  	_ =	shalt  }
0x41: {  	_ =	shalt  }
0x42: {  	_ =	shalt  }
0x43: {  	_ =	shalt  }
0x44: {  	_ =	shalt  }
0x45: {  	_ =	shalt  }
0x46: {  	_ =	shalt  }
0x47: {  	_ =	shalt  }
0x48: {  	_ =	shalt  }
0x49: {  	_ =	shalt  }
0x4a: {  	_ =	shalt  }
0x4b: {  	_ =	shalt  }
0x4c: {  	_ =	shalt  }
0x4d: {  	_ =	shalt  }
0x4e: {  	_ =	shalt  }
0x4f: {  	_ =	shalt  }
0x50: {  	_ =	shalt  }
0x51: {  	_ =	shalt  }
0x52: {  	_ =	shalt  }
0x53: {  	_ =	shalt  }
0x54: {  	_ =	shalt  }
0x55: {  	_ =	shalt  }
0x56: {  	_ =	shalt  }
0x57: {  	_ =	shalt  }
0x58: {  	_ =	shalt  }
0x59: {  	_ =	shalt  }
0x5a: {  	_ =	shalt  }
0x5b: {  	_ =	shalt  }
0x5c: {  	_ =	shalt  }
0x5d: {  	_ =	shalt  }
0x5e: {  	_ =	shalt  }
0x5f: {  	_ =	shalt  }
0x60: {  	_ =	shalt  }
0x61: {  	_ =	shalt  }
0x62: {  	_ =	shalt  }
0x63: {  	_ =	shalt  }
0x64: {  	_ =	shalt  }
0x65: {  	_ =	shalt  }
0x66: {  	_ =	shalt  }
0x67: {  	_ =	shalt  }
0x68: {  	_ =	shalt  }
0x69: {  	_ =	shalt  }
0x6a: {  	_ =	shalt  }
0x6b: {  	_ =	shalt  }
0x6c: {  	_ =	shalt  }
0x6d: {  	_ =	shalt  }
0x6e: {  	_ =	shalt  }
0x6f: {  	_ =	shalt  }
0x70: {  	_ =	shalt  }
0x71: {  	_ =	shalt  }
0x72: {  	_ =	shalt  }
0x73: {  	_ =	shalt  }
0x74: {  	_ =	shalt  }
0x75: {  	_ =	shalt  }
0x76: {  	_ =	shalt  }
0x77: {  	_ =	shalt  }
0x78: {  	_ =	shalt  }
0x79: {  	_ =	shalt  }
0x7a: {  	_ =	shalt  }
0x7b: {  	_ =	shalt  }
0x7c: {  	_ =	shalt  }
0x7d: {  	_ =	shalt  }
0x7e: {  	_ =	shalt  }
0x7f: {  	_ =	shalt  }
0x80: {  	_ =	shalt  }
0x81: {  	_ =	shalt  }
0x82: {  	_ =	shalt  }
0x83: {  	_ =	shalt  }
0x84: {  	_ =	shalt  }
0x85: {  	_ =	shalt  }
0x86: {  	_ =	shalt  }
0x87: {  	_ =	shalt  }
.Lfunc_end0:
.L_simem_size_0:
called_computation_lowered:
.L_overlay_start_0:
0x88: {  	s2 =	sld [smem:$0x3FD9]  }
0x89: {  	s3 =	sld [smem:$0x3FFE];
	_ =	sdelay $0x1  }
0x8a: {  	s1 =	srdreg.scid  }
0x8b: {  	s0 =	sand.u32 $0x1, s1  }
0x8c: {  	s14 =	sshll.u32 s0, $0xA;
	s2 =	sadd.s32 s3, s2  }
0x8d: {  	s2 =	sadd.s32 s2, s14  }
0x8e: {  	[smem:$0x3FBF] =	sst s2  }
0x8f: {  	_ = 	snop  }
0x90: {  	s2 =	sld [smem:$0x3FD0];
	_ =	sdelay $0x2  }
0x91: {  	s15 =	simm.s32 $0xB;
	s4 =	simm.s32 $0x10  }
0x92: {  	[smem:s4], [sflag:s15] =	dma.local [hbm:s2], $0x1  }
0x93: {  	_ =	swait.eq [sflag:s15], $0x1  }
0x94: {  	s16 =	sld [smem:$0x10];
	[sflag:s15] =	ssyncset.done $0x0  }
0x95: {  	s17 =	sld [smem:$0x11];
	[sflag:s15] =	ssyncadd.s32 $0xFFFFFFFF  }
0x96: {  	s18 =	sld [smem:$0x12];
	(tm) =	ssettm $0x1  }
0x97: {  	s5 =	sld [smem:$0x3FFB];
	_ =	sdelay $0x3  }
0x98: {  	_ =	strace s5  }
0x99: {  	s5 =	sld [smem:$0x3FFC];
	_ =	sdelay $0x3  }
0x9a: {  	_ =	strace s5  }
0x9b: {  	s5 =	sld [smem:$0x3FFD];
	_ =	sdelay $0x3  }
0x9c: {  	_ =	strace s5  }
0x9d: {  	_ =	strace $0x8FFFFFFF  }
0x9e: {  	s19 =	sld [smem:$0x3FDB];
	_ =	sdelay $0x1  }
0x9f: {  	s6 =	simm.s32 $_scs_section_size  }
0xa0: {  	s7 =	simm.s32 $_size__tile_overlayer_lowered;
	s8 =	simm.s32 $_tile_overlayer_lowered  }
0xa1: {  	s22 =	simm.s32 $0x1BFF;
	s21 =	sshll.u32 s8, $0x1;
	s5 =	sadd.s32 s6, s19  }
0xa2: {  	s9 =	simm.s32 $0x0;
	s20 =	sshll.u32 s7, $0x1;
	s7 =	sadd.s32 s21, s5  }
0xa3: {  	[timem:s9], [sflag:s22] =	dma.local [hbm:s7], s20  }
0xa4: {  	_ =	swait.ge [sflag:s22], s20  }
0xa5: {  	s6 =	ssub.s32 $0x0, s20;
	[sflag:s22] =	ssyncset.done $0x0  }
0xa6: {  	[sflag:s22] =	ssyncadd.s32 s6;
	_ =	sdelay $0x1  }
0xa7: {  	s23 =	simm.s32 $0x1B8B  }
0xa8: {  	_ =	swait.ge [sflag:s23], $0x1  }
0xa9: {  	[sflag:s23] =	ssyncset.done $0x0  }
0xaa: {  	s25 =	simm.s32 $0x1B8E;
	s24 =	sld [smem:$0x3FFE];
	[sflag:s23] =	ssyncadd.s32 $0xFFFFFFFF  }
0xab: {  	s26 =	simm.s32 $execute0_lowered;
	[smem:$0x3FD2] =	sst s25  }
0xac: {  	s7 =	sshll.u32 s26, $0x1;
	_ =	strace $0x80000046;
	[dreg:$0x1] =	wrdreg $0xFFFFFFFF  }
0xad: {  	s28 =	simm.s32 $_size_execute0_lowered;
	s5 =	sadd.s32 s5, s7;
	[dreg:$0x0] =	wrdreg $0x0  }
0xae: {  	s7 =	sshll.u32 s28, $0x1;
	[dreg:$0x2] =	wrdreg s5  }
0xaf: {  	[dreg:$0x3] =	wrdreg s7  }
0xb0: {  	[dreg:$0x4] =	wrdreg $0xC0  }
0xb1: {  	_ =	task [dreg:s9], $0x5FFFF  }
0xb2: {  	[dreg:$0x1] =	wrdreg $0xFFFFFFFF  }
0xb3: {  	[dreg:$0x0] =	wrdreg $0x60  }
0xb4: {  	[dreg:$0x2] =	wrdreg s16  }
0xb5: {  	[dreg:$0x3] =	wrdreg s17  }
0xb6: {  	[dreg:$0x4] =	wrdreg s18  }
0xb7: {  	[dreg:$0x5] =	wrdreg s24  }
0xb8: {  	[dreg:$0x6] =	wrdreg $0x0  }
0xb9: {  	[dreg:$0x7] =	wrdreg $0xA  }
0xba: {  	_ =	task.clear_ibuf [dreg:s9], $0x8FFFF;
	_ =	strace $0x90000046  }
0xbb: {  	s29 =	simm.s32 $0xA;
	_ =	strace $0x80000048  }
0xbc: {  	_ =	swait.ge [sflag:s29], $0x1  }
0xbd: {  	[sflag:s29] =	ssyncadd.s32 $0xFFFFFFFF  }
0xbe: {  	_ =	strace $0x90000048  }
0xbf: {  	_ =	sfence  }
0xc0: {  	s30 =	sld [smem:$0x0];
	_ =	sdelay $0x2  }
0xc1: {  	s31 =	sshll.u32 s1, $0xD;
	s1 =	sshrl.u32 s1, $0x2  }
0xc2: {  	s3 =	sand.u32 $0x4000, s31;
	s1 =	sadd.s32 s1, s30  }
0xc3: {  	s0 =	sor.u32 s3, s0;
	s1 =	sshll.u32 s1, $0x11  }
0xc4: {  	s0 =	sor.u32 s1, s0  }
0xc5: {  	s0 =	sadd.s32 $0x8F2B, s0  }
0xc6: {  	[sflag:s0] =	ssyncadd.remote.s32 $0x1  }
0xc7: {  	_ =	sfence.sel $0xFFFF  }
0xc8: {  	[dreg:$0x0] =	wrdreg $0xFFFFFFFF;
	(pc) =	sbr.abs _section_cstart, $3  }
0xc9: {  	[dreg:$0x1] =	wrdreg $0xFFFFFFFF  }
0xca: {  	_ =	task.clear_ibuf [dreg:s9], $0x2FFFF;
	_ =	strace $0x9FFFFFFF  }
0xcb: {  	(tm) =	ssettm $0x7FFFFFFF  }
tec
execute0_lowered:
.L_overlay_start_1:
0x0: {  	(tag) =	ssettag $0x1  }
0x1: {  	s2 =	srdreg.scid  }
0x2: {  	s5 =	rddreg [dreg:$0x0];
	s2 =	sand.u32 $0x1, s2  }
0x3: {  	s4 =	rddreg [dreg:$0x1];
	p1 =	seq.s32 s2, $0x1  }
.Ltmp0:
0x4: {  	s7 =	rddreg [dreg:$0x2];
	(pc) =	sbr.rel @p1 .LBB2_4-.Ltmp0, $4  }
0x5: {  	s3 =	rddreg [dreg:$0x3]  }
0x6: {  	s1 =	rddreg [dreg:$0x4];
	s6 =	simm.s32 $0x0  }
0x7: {  	s8 =	stileid.u32;
	[smem:$0x7FF] =	sst s6  }
0x8: {  	s0 =	rddreg [dreg:$0x5];
	p0 =	sne.s32 s8, $0x0;
	_ =	strace $0x80000047  }
0x9: {  	s2 =	sshrl.u32 @!p0 s1, $0x3;
	s9 =	simm.s32 @!p0 $0x1C01  }
0xa: {  	[spmem:s2], [sflag:s9] =	dma.local @!p0 [hbm:s7], $0x4F0  }
0xb: {  	s7 =	simm.s32 @!p0 $0x1  }
0xc: {  	s8 =	smul.u32 $0xA00, s8;
	_ =	swait.ge @!p0 [sflag:s7], $0x4F0  }
0xd: {  	[sflag:s7] =	ssyncset.done @!p0 $0x0  }
0xe: {  	s28 =	simm.s32 $0x278;
	s4 =	sadd.s32 s4, s8;
	[sflag:s7] =	ssyncadd.s32 @!p0 $0xFFFFFB10  }
0xf: {  	[tilespmem:s28], [sflag:$0x1] =	stream.linear.gather [hbm4b:s4+s6], $0x5000, $0x38;
	[tilespmem:$0xA278] =	vst v63  }
0x10: {  	s4 =	simm.s32 $0x1  }
0x11: {  	_ =	swait.ge [sflag:s4], $0x5000  }
0x12: {  	[sflag:s4] =	ssyncset.done $0x0  }
0x13: {  	s29 =	simm.s32 $0x5278;
	s5 =	sadd.s32 s5, s8;
	[sflag:s4] =	ssyncadd.s32 $0xFFFFB000  }
0x14: {  	[tilespmem:s29], [sflag:$0x1] =	stream.linear.gather [hbm4b:s5+s6], $0x5000, $0x38;
	[tilespmem:$0xA278] =	vst v63  }
0x15: {  	_ =	swait.ge [sflag:s4], $0x5000  }
0x16: {  	[sflag:s4] =	ssyncset.done $0x0  }
0x17: {  	s30 =	simm.s32 $0x5278;
	[sflag:s4] =	ssyncadd.s32 $0xFFFFB000  }
0x18: {  	s31 =	simm.s32 $0x278;
	s5 =	simm.s32 $0x80;
	[bflag:$0x0] =	sbarrier.arrive $0xFFFF  }
0x19: {  	[spmem:s1] =	stream.indirect.scatter.add.f32 [tilespmem:s30], [sflag:$0x1], $0x1, s31, s5, $0xb8;
	[tilespmem:$0xA278] =	vst v63  }
0x1a: {  	s3 =	sadd.s32 $0x53400, s3;
	s6 =	simm.s32 $0x200;
	_ =	swait.ge [sflag:s4], $0x80  }
.LBB2_2:
0x1b: {  	s7 =	sshra.s32 s6, $0x2  }
0x1c: {  	[sflag:s4] =	ssyncset.done $0x0;
	p1 =	sne.s32 s6, $0x13E00;
	s8 =	sadd.s32 $0x5278, s7  }
.Ltmp1:
0x1d: {  	s7 =	sadd.s32 $0x278, s7;
	[sflag:s4] =	ssyncadd.s32 $0xFFFFFF80;
	(pc) =	sbr.rel @p1 .LBB2_2-.Ltmp1, $3  }
0x1e: {  	[spmem:s1] =	stream.indirect.scatter.add.f32 [tilespmem:s8], [sflag:$0x1], $0x1, s7, s5, $0xb8;
	[tilespmem:$0xA278] =	vst v63  }
0x1f: {  	s6 =	sadd.s32 $0x200, s6;
	_ =	sdelay $0x1  }
0x20: {  	_ =	swait.ge [sflag:s4], $0x80  }
0x21: {  	[sflag:s4] =	ssyncset.done $0x0  }
0x22: {  	[sflag:s4] =	ssyncadd.s32 $0xFFFFFF80  }
0x23: {  	s1 =	simm.s32 @!p0 $0x1C01;
	[bflag:$0x0] =	sbarrier.arrive $0xFFFF  }
0x24: {  	[hbm:s3], [sflag:s1] =	dma.local @!p0 [spmem:s2], $0x4F0  }
0x25: {  	s1 =	simm.s32 @!p0 $0x1  }
0x26: {  	_ =	swait.ge @!p0 [sflag:s1], $0x4F0  }
0x27: {  	[sflag:s1] =	ssyncset.done @!p0 $0x0  }
0x28: {  	[sflag:s1] =	ssyncadd.s32 @!p0 $0xFFFFFB10  }
.LBB2_4:
0x29: {  	_ =	sfence.sel $0x180000  }
0x2a: {  	[bflag:$0x0] =	sbarrier.arrive $0xFFFF  }
0x2b: {  	_ =	strace $0x90000047  }
0x2c: {  	s0 =	sadd.s32 @!p0 $0x100000, s0;
	[bflag:$0x2] =	sbarrier.arrive $0xFFFF  }
0x2d: {  	[sflag:s0] =	ssyncadd.tile.s32 @!p0 $0x1;
	_ =	shalt  }
.Lfunc_end2:
_tile_overlayer_lowered:
.L_overlay_start_2:
0x2e: {  	(tag) =	ssettag $0x2  }
0x2f: {  	s0 =	rddreg [dreg:$0x0];
	s2 =	stileid.u32  }
0x30: {  	s1 =	rddreg [dreg:$0x1];
	p0 =	sne.s32 s2, $0x0  }
0x31: {  	s3 =	rddreg [dreg:$0x2];
	[bflag:$0x3] =	sbarrier.arrive $0xFFFF;
	s2 =	simm.s32 @!p0 $0x1C01  }
0x32: {  	[timem:s3], [sflag:s2] =	dma.local @!p0 [hbm:s0], s1  }
0x33: {  	s0 =	simm.s32 @!p0 $0x1  }
0x34: {  	_ =	swait.ge @!p0 [sflag:s0], s1  }
0x35: {  	s1 =	ssub.s32 @!p0 $0x0, s1;
	[sflag:s0] =	ssyncset.done @!p0 $0x0  }
0x36: {  	[sflag:s0] =	ssyncadd.s32 @!p0 s1  }
0x37: {  	[bflag:$0x3] =	sbarrier.arrive $0xFFFF  }
0x38: {  	_ =	shalt  }

</sc_bundles>
